<compile_context>
chip_gen: v7x
topology: tpu7x:2x2x1
jax: 0.10.2.dev20260603
libtpu: 0.0.44.dev20260713+nightly
codegen_flags: <defaults>
</compile_context>

<pallas_src>
import functools

import jax
import jax.numpy as jnp
from jax import lax
from jax.experimental import pallas as pl
from jax.experimental.pallas import tpu as pltpu
from jax.experimental.pallas import tpu_sc as plsc

_N = 10000
_E = 320000
_H = 128

_NC = 2
_NS = 16
_NW = _NC * _NS
_EPW = _E // _NW
_B = 80
_NCHUNK = _EPW // _B
_NPAD = 10240
_RPW = _NPAD // _NS
_DROWS = _NPAD // _H
_AR = _NPAD + _DROWS


def _dotT(a, b):
    return lax.dot_general(a, b, (((1,), (1,)), ((), ())),
                           preferred_element_type=jnp.float32)


def _pre_body(inp_ref, w1_ref, b1_ref, wl_ref, wr_ref, x_ref, xl_ref, xr_ref):
    x = jnp.maximum(_dotT(inp_ref[...], w1_ref[...]) + b1_ref[...], 0.0)
    x_ref[...] = x
    xl_ref[...] = _dotT(x, wl_ref[...])
    xr_ref[...] = _dotT(x, wr_ref[...])


def _pre(inputs, fc1_W, fc1_b, Wl, Wr):
    blk = 1000
    grid = _N // blk
    return pl.pallas_call(
        _pre_body,
        grid=(grid,),
        in_specs=[
            pl.BlockSpec((blk, _H), lambda i: (i, 0)),
            pl.BlockSpec((_H, _H), lambda i: (0, 0)),
            pl.BlockSpec((1, _H), lambda i: (0, 0)),
            pl.BlockSpec((_H, _H), lambda i: (0, 0)),
            pl.BlockSpec((_H, _H), lambda i: (0, 0)),
        ],
        out_specs=[
            pl.BlockSpec((blk, _H), lambda i: (i, 0)),
            pl.BlockSpec((blk, _H), lambda i: (i, 0)),
            pl.BlockSpec((blk, _H), lambda i: (i, 0)),
        ],
        out_shape=[jax.ShapeDtypeStruct((_N, _H), jnp.float32)] * 3,
    )(inputs, fc1_W, fc1_b, Wl, Wr)


def _ep_body(ea_ref, we_ref, ep_ref):
    ep_ref[...] = _dotT(ea_ref[...], we_ref[...])


def _ep(edge_attr, We):
    blk = 8000
    return pl.pallas_call(
        _ep_body,
        grid=(_E // blk,),
        in_specs=[
            pl.BlockSpec((blk, 5), lambda i: (i, 0)),
            pl.BlockSpec((_H, 5), lambda i: (0, 0)),
        ],
        out_specs=pl.BlockSpec((blk, _H), lambda i: (i, 0)),
        out_shape=jax.ShapeDtypeStruct((_E, _H), jnp.float32),
    )(edge_attr, We)


def _edge_body(xl_hbm, xr_hbm, ep_hbm, src_hbm, dst_hbm, att_hbm, out_hbm,
               idx_s, idx_d, den_idx, xl_r, xr_r, msgden, wbuf,
               zbuf, att_v, acc, sem0, sem1, sem2):
    cid = lax.axis_index("c")
    sid = lax.axis_index("s")
    wid = cid * _NS + sid

    pltpu.sync_copy(att_hbm, att_v)

    zrow = 16
    def _z(i, _):
        r = i // (_H // 16)
        c = (i % (_H // 16)) * 16
        zbuf[r, pl.ds(c, 16)] = jnp.zeros((16,), jnp.float32)
        return 0
    lax.fori_loop(0, zrow * (_H // 16), _z, 0)
    def _zm(i, _):
        r = i // (_H // 16)
        c = (i % (_H // 16)) * 16
        msgden[r, pl.ds(c, 16)] = jnp.zeros((16,), jnp.float32)
        return 0
    lax.fori_loop(0, _B * (_H // 16), _zm, 0)
    def _zc(k, _):
        pltpu.sync_copy(zbuf, acc.at[pl.ds(sid * _RPW + k * zrow, zrow)])
        return 0
    lax.fori_loop(0, _RPW // zrow, _zc, 0)

    @pl.when(sid < 10)
    def _zden():
        pltpu.sync_copy(zbuf.at[pl.ds(0, 8)],
                        acc.at[pl.ds(_NPAD + sid * 8, 8)])

    plsc.subcore_barrier()

    base_e = wid * _EPW

    def _chunk(ci, _):
        eb = base_e + ci * _B
        pltpu.sync_copy(src_hbm.at[pl.ds(eb, _B)], idx_s)
        pltpu.sync_copy(dst_hbm.at[pl.ds(eb, _B)], idx_d)
        for k in range(_B // 16):
            den_idx[pl.ds(16 * k, 16)] = lax.iota(jnp.int32, 16) + (eb + 16 * k)
        cp1 = pltpu.async_copy(xl_hbm.at[idx_s], xl_r, sem0)
        cp2 = pltpu.async_copy(xr_hbm.at[idx_d], xr_r, sem1)
        cp2.wait()
        cp3 = pltpu.async_copy(ep_hbm.at[den_idx], xr_r, sem2, add=True)
        cp1.wait()
        cp3.wait()

        def _edge(e, _):
            s = jnp.zeros((16,), jnp.float32)
            for h in range(8):
                t = (xl_r[e, pl.ds(h * 16, 16)]
                     + xr_r[e, pl.ds(h * 16, 16)])
                t = jnp.maximum(t, 0.2 * t)
                s = s + t * att_v[pl.ds(h * 16, 16)]
            w = jnp.exp(lax.broadcast(jnp.sum(s), (16,)))
            for h in range(8):
                xl_r[e, pl.ds(h * 16, 16)] = w * xl_r[e, pl.ds(h * 16, 16)]
            wbuf[e, pl.ds(0, 16)] = w
            return 0

        lax.fori_loop(0, _B, _edge, 0)

        for k in range(_B // 16):
            rows = lax.iota(jnp.int32, 16) + (16 * k)
            dv = idx_d[pl.ds(16 * k, 16)]
            w16 = plsc.load_gather(wbuf, [rows, jnp.zeros((16,), jnp.int32)])
            plsc.store_scatter(msgden, [rows, lax.bitwise_and(dv, 127)], w16)
            den_idx[pl.ds(16 * k, 16)] = lax.shift_right_logical(dv, 7) + _NPAD

        pltpu.sync_copy(xl_r, acc.at[idx_d], add=True)
        pltpu.sync_copy(msgden, acc.at[den_idx], add=True)

        for k in range(_B // 16):
            rows = lax.iota(jnp.int32, 16) + (16 * k)
            dv = idx_d[pl.ds(16 * k, 16)]
            plsc.store_scatter(msgden, [rows, lax.bitwise_and(dv, 127)],
                               jnp.zeros((16,), jnp.float32))
        return 0

    lax.fori_loop(0, _NCHUNK, _chunk, 0)
    plsc.subcore_barrier()

    pltpu.sync_copy(acc.at[pl.ds(sid * _RPW, _RPW)],
                    out_hbm.at[cid, pl.ds(sid * _RPW, _RPW)])

    @pl.when(sid < 10)
    def _dden():
        pltpu.sync_copy(acc.at[pl.ds(_NPAD + sid * 8, 8)],
                        out_hbm.at[cid, pl.ds(_NPAD + sid * 8, 8)])


def _edge(xl, xr, ep, src, dst, att):
    mesh = plsc.VectorSubcoreMesh(core_axis_name="c", subcore_axis_name="s")
    f = pl.kernel(
        _edge_body,
        out_type=jax.ShapeDtypeStruct((_NC, _AR, _H), jnp.float32),
        mesh=mesh,
        compiler_params=pltpu.CompilerParams(needs_layout_passes=False),
        scratch_types=[
            pltpu.VMEM((_B,), jnp.int32),
            pltpu.VMEM((_B,), jnp.int32),
            pltpu.VMEM((_B,), jnp.int32),
            pltpu.VMEM((_B, _H), jnp.float32),
            pltpu.VMEM((_B, _H), jnp.float32),
            pltpu.VMEM((_B, _H), jnp.float32),
            pltpu.VMEM((_B, 16), jnp.float32),
            pltpu.VMEM((16, _H), jnp.float32),
            pltpu.VMEM((_H,), jnp.float32),
            pltpu.VMEM_SHARED((_AR, _H), jnp.float32),
            pltpu.SemaphoreType.DMA,
            pltpu.SemaphoreType.DMA,
            pltpu.SemaphoreType.DMA,
        ],
    )
    return f(xl, xr, ep, src, dst, att)


def _fin_body(a0_ref, a1_ref, d0_ref, d1_ref, x_ref, h_ref, gb_ref, wih_ref,
              whh_ref, bih_ref, bhh_ref, w2_ref, b2_ref, q_ref, hn_ref):
    num = a0_ref[...] + a1_ref[...]
    den = d0_ref[...] + d1_ref[...]
    gat = num / (den + 1e-16)
    hg = jnp.maximum(gat + gb_ref[...], 0.0)
    hcat = jnp.concatenate([hg, x_ref[...]], axis=1)
    h_in = h_ref[...]
    gx = _dotT(hcat, wih_ref[...]) + bih_ref[...]
    gh = _dotT(h_in, whh_ref[...]) + bhh_ref[...]
    r = jax.nn.sigmoid(gx[:, :2 * _H] + gh[:, :2 * _H])
    z = jax.nn.sigmoid(gx[:, 2 * _H:4 * _H] + gh[:, 2 * _H:4 * _H])
    n = jnp.tanh(gx[:, 4 * _H:] + r * gh[:, 4 * _H:])
    hn = (1.0 - z) * n + z * h_in
    hn_ref[...] = hn
    q_ref[...] = _dotT(hn, w2_ref[...]) + b2_ref[...]


def _fin(a0, a1, d0, d1, x, h_in, gat_b, W_ih, W_hh, b_ih, b_hh, fc2_W, fc2_b):
    blk = 1000
    return pl.pallas_call(
        _fin_body,
        grid=(_N // blk,),
        in_specs=[
            pl.BlockSpec((blk, _H), lambda i: (i, 0)),
            pl.BlockSpec((blk, _H), lambda i: (i, 0)),
            pl.BlockSpec((blk, 1), lambda i: (i, 0)),
            pl.BlockSpec((blk, 1), lambda i: (i, 0)),
            pl.BlockSpec((blk, _H), lambda i: (i, 0)),
            pl.BlockSpec((blk, 2 * _H), lambda i: (i, 0)),
            pl.BlockSpec((1, _H), lambda i: (0, 0)),
            pl.BlockSpec((6 * _H, 2 * _H), lambda i: (0, 0)),
            pl.BlockSpec((6 * _H, 2 * _H), lambda i: (0, 0)),
            pl.BlockSpec((1, 6 * _H), lambda i: (0, 0)),
            pl.BlockSpec((1, 6 * _H), lambda i: (0, 0)),
            pl.BlockSpec((16, 2 * _H), lambda i: (0, 0)),
            pl.BlockSpec((1, 16), lambda i: (0, 0)),
        ],
        out_specs=[
            pl.BlockSpec((blk, 16), lambda i: (i, 0)),
            pl.BlockSpec((blk, 2 * _H), lambda i: (i, 0)),
        ],
        out_shape=[
            jax.ShapeDtypeStruct((_N, 16), jnp.float32),
            jax.ShapeDtypeStruct((_N, 2 * _H), jnp.float32),
        ],
    )(a0, a1, d0, d1, x, h_in, gat_b, W_ih, W_hh, b_ih, b_hh, fc2_W, fc2_b)


@jax.jit
def kernel(inputs, hidden_states, edge_index, edge_attr, fc1_W, fc1_b, Wl, Wr,
           We, att, gat_b, W_ih, W_hh, b_ih, b_hh, fc2_W, fc2_b):
    src = edge_index[0].astype(jnp.int32)
    dst = edge_index[1].astype(jnp.int32)

    x, xl, xr = _pre(inputs, fc1_W, fc1_b.reshape(1, _H), Wl, Wr)
    ep = _ep(edge_attr, We)
    acc = _edge(xl, xr, ep, src, dst, att)
    d0 = acc[0, _NPAD:].reshape(_NPAD, 1)[:_N]
    d1 = acc[1, _NPAD:].reshape(_NPAD, 1)[:_N]
    q, h_new = _fin(acc[0, :_N], acc[1, :_N], d0, d1, x, hidden_states,
                    gat_b.reshape(1, _H), W_ih, W_hh,
                    b_ih.reshape(1, 6 * _H), b_hh.reshape(1, 6 * _H),
                    fc2_W, fc2_b.reshape(1, 16))
    return (q, h_new)

# --- scband reference (transcript-rebuilt; emitter-appended) ---
"""Pipeline reference for scband-gnn-rnn-agent-2800318677701 (READ-ONLY COPY).

The authoritative reference and input builder live on the scoring server;
editing this copy changes nothing except your own understanding.
"""

import jax, jax.numpy as jnp
import numpy as np

N = 10000
E = 320000
D = 128
H = 128
A = 16
ED = 5

def setup_inputs(seed: int = 0) -> dict:
    key = jax.random.key(seed)
    ks = jax.random.split(key, 18)
    s = 0.05
    inp = {}
    inp['inputs'] = jax.random.normal(ks[0], (N, D), dtype=jnp.float32)
    inp['hidden_states'] = jax.random.normal(ks[1], (N, 2 * H), dtype=jnp.float32)
    inp['edge_index'] = jax.random.randint(ks[2], (2, E), 0, N, dtype=jnp.int32).astype(jnp.int64)
    inp['edge_attr'] = jax.random.normal(ks[3], (E, ED), dtype=jnp.float32)
    inp['fc1_W'] = jax.random.normal(ks[4], (H, D), dtype=jnp.float32) * s
    inp['fc1_b'] = jnp.zeros((H,), dtype=jnp.float32)
    inp['Wl'] = jax.random.normal(ks[5], (H, H), dtype=jnp.float32) * s
    inp['Wr'] = jax.random.normal(ks[6], (H, H), dtype=jnp.float32) * s
    inp['We'] = jax.random.normal(ks[7], (H, ED), dtype=jnp.float32) * s
    inp['att'] = jax.random.normal(ks[8], (H,), dtype=jnp.float32) * s
    inp['gat_b'] = jnp.zeros((H,), dtype=jnp.float32)
    inp['W_ih'] = jax.random.normal(ks[9], (6 * H, 2 * H), dtype=jnp.float32) * s
    inp['W_hh'] = jax.random.normal(ks[10], (6 * H, 2 * H), dtype=jnp.float32) * s
    inp['b_ih'] = jnp.zeros((6 * H,), dtype=jnp.float32)
    inp['b_hh'] = jnp.zeros((6 * H,), dtype=jnp.float32)
    inp['fc2_W'] = jax.random.normal(ks[11], (A, 2 * H), dtype=jnp.float32) * s
    inp['fc2_b'] = jnp.zeros((A,), dtype=jnp.float32)
    return inp


def reference(inputs, hidden_states, edge_index, edge_attr, fc1_W, fc1_b, Wl, Wr, We, att, gat_b, W_ih, W_hh, b_ih, b_hh, fc2_W, fc2_b):
    # fc1 + relu
    x = jax.nn.relu(inputs @ fc1_W.T + fc1_b)
    # GATv2Conv (heads=1, edge_dim=5)
    src = edge_index[0]
    dst = edge_index[1]
    xl = x @ Wl.T
    xr = x @ Wr.T
    e = xl[src] + xr[dst] + edge_attr @ We.T
    e = jax.nn.leaky_relu(e, 0.2)
    alpha = e @ att
    m = jax.ops.segment_max(alpha, dst, num_segments=N)
    m = jnp.where(jnp.isfinite(m), m, 0.0)
    a = jnp.exp(alpha - m[dst])
    ssum = jax.ops.segment_sum(a, dst, num_segments=N)
    a = a / (ssum[dst] + 1e-16)
    gat_out = jax.ops.segment_sum(xl[src] * a[:, None], dst, num_segments=N) + gat_b
    h_gat = jax.nn.relu(gat_out)
    # concat + GRUCell
    hcat = jnp.concatenate([h_gat, x], axis=1)
    h_in = hidden_states.reshape(-1, 2 * H)
    gx = hcat @ W_ih.T + b_ih
    gh = h_in @ W_hh.T + b_hh
    r = jax.nn.sigmoid(gx[:, : 2 * H] + gh[:, : 2 * H])
    z = jax.nn.sigmoid(gx[:, 2 * H: 4 * H] + gh[:, 2 * H: 4 * H])
    n = jnp.tanh(gx[:, 4 * H:] + r * gh[:, 4 * H:])
    h_new = (1.0 - z) * n + z * h_in
    # fc2
    q = h_new @ fc2_W.T + fc2_b
    return (q, h_new)

if __name__ == "__main__":
    import jax
    _d = setup_inputs()
    print(jax.jit(kernel)(*tuple(_d.values())))

</pallas_src>

<mosaic_0001>
#map = affine_map<(d0, d1) -> (0, 0)>
#map1 = affine_map<(d0, d1) -> (0)>
#map2 = affine_map<(d0, d1) -> (0, 0, 0)>
module attributes {stable_mosaic.version = 14 : i64} {
  func.func @_edge_body(%arg0: i32, %arg1: i32, %arg2: memref<10000x128xf32, #tpu.memory_space<hbm>>, %arg3: memref<10000x128xf32, #tpu.memory_space<hbm>>, %arg4: memref<320000x128xf32, #tpu.memory_space<hbm>>, %arg5: memref<320000xi32, #tpu.memory_space<hbm>>, %arg6: memref<320000xi32, #tpu.memory_space<hbm>>, %arg7: memref<128xf32, #tpu.memory_space<hbm>>, %arg8: memref<2x10320x128xf32, #tpu.memory_space<hbm>>, %arg9: memref<80xi32, #tpu.memory_space<vmem>>, %arg10: memref<80xi32, #tpu.memory_space<vmem>>, %arg11: memref<80xi32, #tpu.memory_space<vmem>>, %arg12: memref<80x128xf32, #tpu.memory_space<vmem>>, %arg13: memref<80x128xf32, #tpu.memory_space<vmem>>, %arg14: memref<80x128xf32, #tpu.memory_space<vmem>>, %arg15: memref<80x16xf32, #tpu.memory_space<vmem>>, %arg16: memref<16x128xf32, #tpu.memory_space<vmem>>, %arg17: memref<128xf32, #tpu.memory_space<vmem>>, %arg18: memref<10320x128xf32, #tpu.memory_space<vmem_shared>>, %arg19: memref<!tpu.dma_semaphore, #tpu.memory_space<semaphore_mem>>, %arg20: memref<!tpu.dma_semaphore, #tpu.memory_space<semaphore_mem>>, %arg21: memref<!tpu.dma_semaphore, #tpu.memory_space<semaphore_mem>>) attributes {dimension_semantics = [#tpu.dimension_semantics<core_parallel>, #tpu.dimension_semantics<subcore_parallel>], iteration_bounds = array<i64: 2, 16>, scalar_prefetch = 0 : i64, scratch_operands = 13 : i64, tpu.core_type = #tpu.core_type<sc_vector_subcore>, window_params = [{transform_indices = #map}, {transform_indices = #map}, {transform_indices = #map}, {transform_indices = #map1}, {transform_indices = #map1}, {transform_indices = #map1}, {transform_indices = #map2}]} {
    %mul3A = arith.constant 16 : i32
    %mul3A_0 = arith.muli %arg0, %mul3A : i32
    %add3A = arith.addi %mul3A_0, %arg1 : i32
    "tpu.region"() ({
      %run_scoped3A = tpu.sem_alloc : memref<!tpu.dma_semaphore, #tpu.memory_space<semaphore_mem>>
      tpu.enqueue_dma source(%arg7 : memref<128xf32, #tpu.memory_space<hbm>>) target(%arg17 : memref<128xf32, #tpu.memory_space<vmem>>) target_semaphore(%run_scoped3A : memref<!tpu.dma_semaphore, #tpu.memory_space<semaphore_mem>>)
      tpu.wait_dma2 semaphore(%run_scoped3A : memref<!tpu.dma_semaphore, #tpu.memory_space<semaphore_mem>>) src(%arg7 : memref<128xf32, #tpu.memory_space<hbm>>) dst(%arg17 : memref<128xf32, #tpu.memory_space<vmem>>)
      tpu.yield
    }) : () -> ()
    %scan3A = arith.constant 0 : i32
    %scan3A_1 = arith.constant 0 : i32
    %scan3A_2 = arith.constant 128 : i32
    %scan3A_3 = arith.addi %scan3A_1, %scan3A_2 : i32
    %scan3A_4 = arith.constant 1 : i32
    %scan3A_5 = scf.for %scan3A_42 = %scan3A_1 to %scan3A_3 step %scan3A_4 iter_args(%scan3A_43 = %scan3A) -> (i32)  : i32 {
      %jit3A = arith.constant 8 : i32
      %div3A = arith.divsi %scan3A_42, %jit3A : i32
      %sign3A = arith.constant 0 : i32
      %sign3A_44 = arith.cmpi sgt, %scan3A_42, %sign3A : i32
      %sign3A_45 = arith.extui %sign3A_44 : i1 to i32
      %sign3A_46 = arith.constant 0 : i32
      %sign3A_47 = arith.cmpi slt, %scan3A_42, %sign3A_46 : i32
      %sign3A_48 = arith.extui %sign3A_47 : i1 to i32
      %sign3A_49 = arith.subi %sign3A_45, %sign3A_48 : i32
      %sign3A_50 = arith.constant 0 : i32
      %sign3A_51 = arith.cmpi sgt, %jit3A, %sign3A_50 : i32
      %sign3A_52 = arith.extui %sign3A_51 : i1 to i32
      %sign3A_53 = arith.constant 0 : i32
      %sign3A_54 = arith.cmpi slt, %jit3A, %sign3A_53 : i32
      %sign3A_55 = arith.extui %sign3A_54 : i1 to i32
      %sign3A_56 = arith.subi %sign3A_52, %sign3A_55 : i32
      %ne3A = arith.cmpi ne, %sign3A_49, %sign3A_56 : i32
      %rem3A = arith.remsi %scan3A_42, %jit3A : i32
      %ne3A_57 = arith.constant 0 : i32
      %ne3A_58 = arith.cmpi ne, %rem3A, %ne3A_57 : i32
      %and3A = arith.andi %ne3A, %ne3A_58 : i1
      %sub3A = arith.constant 1 : i32
      %sub3A_59 = arith.subi %div3A, %sub3A : i32
      %select_n3A = arith.select %and3A, %sub3A_59, %div3A : i32
      %jit3A_60 = arith.constant 8 : i32
      %eq3A = arith.constant 0 : i32
      %eq3A_61 = arith.cmpi eq, %jit3A_60, %eq3A : i32
      %jit3A_62 = arith.constant 1 : i32
      %select_n3A_63 = arith.select %eq3A_61, %jit3A_62, %jit3A_60 : i32
      %rem3A_64 = arith.remsi %scan3A_42, %select_n3A_63 : i32
      %ne3A_65 = arith.constant 0 : i32
      %ne3A_66 = arith.cmpi ne, %rem3A_64, %ne3A_65 : i32
      %lt3A_67 = arith.constant 0 : i32
      %lt3A_68 = arith.cmpi slt, %rem3A_64, %lt3A_67 : i32
      %lt3A_69 = arith.constant 0 : i32
      %lt3A_70 = arith.cmpi slt, %select_n3A_63, %lt3A_69 : i32
      %ne3A_71 = arith.xori %lt3A_68, %lt3A_70 : i1
      %and3A_72 = arith.andi %ne3A_71, %ne3A_66 : i1
      %add3A_73 = arith.addi %rem3A_64, %select_n3A_63 : i32
      %select_n3A_74 = arith.select %and3A_72, %add3A_73, %rem3A_64 : i32
      %mul3A_75 = arith.constant 16 : i32
      %mul3A_76 = arith.muli %select_n3A_74, %mul3A_75 : i32
      %broadcast_in_dim3A = arith.constant 0.000000e+00 : f32
      %broadcast_in_dim3A_77 = vector.broadcast %broadcast_in_dim3A : f32 to vector<16xf32>
      %swap3A = arith.index_cast %select_n3A : i32 to index
      %swap3A_78 = arith.index_cast %mul3A_76 : i32 to index
      %swap3A_79 = tpu.vector_load %arg16[%swap3A, %swap3A_78] {strides = array<i32>} : memref<16x128xf32, #tpu.memory_space<vmem>>, vector<16xf32>,
      tpu.vector_store %arg16[%swap3A, %swap3A_78], %broadcast_in_dim3A_77 {strides = array<i32>} : memref<16x128xf32, #tpu.memory_space<vmem>>, vector<16xf32>,
      %scan3A_80 = arith.constant 0 : i32
      scf.yield %scan3A_80 : i32
    }
    %scan3A_6 = arith.constant 128 : i32
    %scan3A_7 = arith.constant 0 : i32
    %scan3A_8 = arith.constant 0 : i32
    %scan3A_9 = arith.constant 640 : i32
    %scan3A_10 = arith.addi %scan3A_8, %scan3A_9 : i32
    %scan3A_11 = arith.constant 1 : i32
    %scan3A_12 = scf.for %scan3A_42 = %scan3A_8 to %scan3A_10 step %scan3A_11 iter_args(%scan3A_43 = %scan3A_7) -> (i32)  : i32 {
      %jit3A = arith.constant 8 : i32
      %div3A = arith.divsi %scan3A_42, %jit3A : i32
      %sign3A = arith.constant 0 : i32
      %sign3A_44 = arith.cmpi sgt, %scan3A_42, %sign3A : i32
      %sign3A_45 = arith.extui %sign3A_44 : i1 to i32
      %sign3A_46 = arith.constant 0 : i32
      %sign3A_47 = arith.cmpi slt, %scan3A_42, %sign3A_46 : i32
      %sign3A_48 = arith.extui %sign3A_47 : i1 to i32
      %sign3A_49 = arith.subi %sign3A_45, %sign3A_48 : i32
      %sign3A_50 = arith.constant 0 : i32
      %sign3A_51 = arith.cmpi sgt, %jit3A, %sign3A_50 : i32
      %sign3A_52 = arith.extui %sign3A_51 : i1 to i32
      %sign3A_53 = arith.constant 0 : i32
      %sign3A_54 = arith.cmpi slt, %jit3A, %sign3A_53 : i32
      %sign3A_55 = arith.extui %sign3A_54 : i1 to i32
      %sign3A_56 = arith.subi %sign3A_52, %sign3A_55 : i32
      %ne3A = arith.cmpi ne, %sign3A_49, %sign3A_56 : i32
      %rem3A = arith.remsi %scan3A_42, %jit3A : i32
      %ne3A_57 = arith.constant 0 : i32
      %ne3A_58 = arith.cmpi ne, %rem3A, %ne3A_57 : i32
      %and3A = arith.andi %ne3A, %ne3A_58 : i1
      %sub3A = arith.constant 1 : i32
      %sub3A_59 = arith.subi %div3A, %sub3A : i32
      %select_n3A = arith.select %and3A, %sub3A_59, %div3A : i32
      %jit3A_60 = arith.constant 8 : i32
      %eq3A = arith.constant 0 : i32
      %eq3A_61 = arith.cmpi eq, %jit3A_60, %eq3A : i32
      %jit3A_62 = arith.constant 1 : i32
      %select_n3A_63 = arith.select %eq3A_61, %jit3A_62, %jit3A_60 : i32
      %rem3A_64 = arith.remsi %scan3A_42, %select_n3A_63 : i32
      %ne3A_65 = arith.constant 0 : i32
      %ne3A_66 = arith.cmpi ne, %rem3A_64, %ne3A_65 : i32
      %lt3A_67 = arith.constant 0 : i32
      %lt3A_68 = arith.cmpi slt, %rem3A_64, %lt3A_67 : i32
      %lt3A_69 = arith.constant 0 : i32
      %lt3A_70 = arith.cmpi slt, %select_n3A_63, %lt3A_69 : i32
      %ne3A_71 = arith.xori %lt3A_68, %lt3A_70 : i1
      %and3A_72 = arith.andi %ne3A_71, %ne3A_66 : i1
      %add3A_73 = arith.addi %rem3A_64, %select_n3A_63 : i32
      %select_n3A_74 = arith.select %and3A_72, %add3A_73, %rem3A_64 : i32
      %mul3A_75 = arith.constant 16 : i32
      %mul3A_76 = arith.muli %select_n3A_74, %mul3A_75 : i32
      %broadcast_in_dim3A = arith.constant 0.000000e+00 : f32
      %broadcast_in_dim3A_77 = vector.broadcast %broadcast_in_dim3A : f32 to vector<16xf32>
      %swap3A = arith.index_cast %select_n3A : i32 to index
      %swap3A_78 = arith.index_cast %mul3A_76 : i32 to index
      %swap3A_79 = tpu.vector_load %arg14[%swap3A, %swap3A_78] {strides = array<i32>} : memref<80x128xf32, #tpu.memory_space<vmem>>, vector<16xf32>,
      tpu.vector_store %arg14[%swap3A, %swap3A_78], %broadcast_in_dim3A_77 {strides = array<i32>} : memref<80x128xf32, #tpu.memory_space<vmem>>, vector<16xf32>,
      %scan3A_80 = arith.constant 0 : i32
      scf.yield %scan3A_80 : i32
    }
    %scan3A_13 = arith.constant 640 : i32
    %scan3A_14 = arith.constant 0 : i32
    %scan3A_15 = arith.constant 0 : i32
    %scan3A_16 = arith.constant 40 : i32
    %scan3A_17 = arith.addi %scan3A_15, %scan3A_16 : i32
    %scan3A_18 = arith.constant 1 : i32
    %scan3A_19 = scf.for %scan3A_42 = %scan3A_15 to %scan3A_17 step %scan3A_18 iter_args(%scan3A_43 = %scan3A_14) -> (i32)  : i32 {
      %mul3A_44 = arith.constant 640 : i32
      %mul3A_45 = arith.muli %arg1, %mul3A_44 : i32
      %mul3A_46 = arith.constant 16 : i32
      %mul3A_47 = arith.muli %scan3A_42, %mul3A_46 : i32
      %add3A_48 = arith.addi %mul3A_45, %mul3A_47 : i32
      "tpu.region"() ({
        %run_scoped3A = tpu.sem_alloc : memref<!tpu.dma_semaphore, #tpu.memory_space<semaphore_mem>>
        %dma_start3A = arith.constant 0 : i32
        %dma_start3A_50 = tpu.memref_slice %arg18[%add3A_48, %dma_start3A] : memref<10320x128xf32, #tpu.memory_space<vmem_shared>> -> memref<16x128xf32, #tpu.memory_space<vmem_shared>>
        %dma_start3A_51 = arith.constant 0 : i32
        %dma_start3A_52 = tpu.memref_slice %arg18[%add3A_48, %dma_start3A_51] : memref<10320x128xf32, #tpu.memory_space<vmem_shared>> -> memref<16x128xf32, #tpu.memory_space<vmem_shared>>
        tpu.enqueue_dma source(%arg16 : memref<16x128xf32, #tpu.memory_space<vmem>>) target(%dma_start3A_52 : memref<16x128xf32, #tpu.memory_space<vmem_shared>>) target_semaphore(%run_scoped3A : memref<!tpu.dma_semaphore, #tpu.memory_space<semaphore_mem>>)
        %dma_wait3A = arith.constant 0 : i32
        %dma_wait3A_53 = tpu.memref_slice %arg18[%add3A_48, %dma_wait3A] : memref<10320x128xf32, #tpu.memory_space<vmem_shared>> -> memref<16x128xf32, #tpu.memory_space<vmem_shared>>
        %dma_wait3A_54 = arith.constant 0 : i32
        %dma_wait3A_55 = tpu.memref_slice %arg18[%add3A_48, %dma_wait3A_54] : memref<10320x128xf32, #tpu.memory_space<vmem_shared>> -> memref<16x128xf32, #tpu.memory_space<vmem_shared>>
        tpu.wait_dma2 semaphore(%run_scoped3A : memref<!tpu.dma_semaphore, #tpu.memory_space<semaphore_mem>>) src(%arg16 : memref<16x128xf32, #tpu.memory_space<vmem>>) dst(%dma_wait3A_55 : memref<16x128xf32, #tpu.memory_space<vmem_shared>>)
        tpu.yield
      }) : () -> ()
      %scan3A_49 = arith.constant 0 : i32
      scf.yield %scan3A_49 : i32
    }
    %scan3A_20 = arith.constant 40 : i32
    %lt3A = arith.constant 10 : i32
    %lt3A_21 = arith.cmpi slt, %arg1, %lt3A : i32
    %convert_element_type3A = arith.extui %lt3A_21 : i1 to i32
    %cond3A = arith.constant 0 : i32
    %cond3A_22 = arith.cmpi ne, %convert_element_type3A, %cond3A : i32
    scf.if %cond3A_22 {
      %mul3A_42 = arith.constant 8 : i32
      %mul3A_43 = arith.muli %arg1, %mul3A_42 : i32
      %add3A_44 = arith.constant 10240 : i32
      %add3A_45 = arith.addi %add3A_44, %mul3A_43 : i32
      "tpu.region"() ({
        %run_scoped3A = tpu.sem_alloc : memref<!tpu.dma_semaphore, #tpu.memory_space<semaphore_mem>>
        %dma_start3A = arith.constant 0 : i32
        %dma_start3A_46 = arith.constant 0 : i32
        %dma_start3A_47 = tpu.memref_slice %arg16[%dma_start3A, %dma_start3A_46] : memref<16x128xf32, #tpu.memory_space<vmem>> -> memref<8x128xf32, #tpu.memory_space<vmem>>
        %dma_start3A_48 = arith.constant 0 : i32
        %dma_start3A_49 = tpu.memref_slice %arg18[%add3A_45, %dma_start3A_48] : memref<10320x128xf32, #tpu.memory_space<vmem_shared>> -> memref<8x128xf32, #tpu.memory_space<vmem_shared>>
        %dma_start3A_50 = arith.constant 0 : i32
        %dma_start3A_51 = tpu.memref_slice %arg18[%add3A_45, %dma_start3A_50] : memref<10320x128xf32, #tpu.memory_space<vmem_shared>> -> memref<8x128xf32, #tpu.memory_space<vmem_shared>>
        %dma_start3A_52 = arith.constant 0 : i32
        %dma_start3A_53 = arith.constant 0 : i32
        %dma_start3A_54 = tpu.memref_slice %arg16[%dma_start3A_52, %dma_start3A_53] : memref<16x128xf32, #tpu.memory_space<vmem>> -> memref<8x128xf32, #tpu.memory_space<vmem>>
        tpu.enqueue_dma source(%dma_start3A_54 : memref<8x128xf32, #tpu.memory_space<vmem>>) target(%dma_start3A_51 : memref<8x128xf32, #tpu.memory_space<vmem_shared>>) target_semaphore(%run_scoped3A : memref<!tpu.dma_semaphore, #tpu.memory_space<semaphore_mem>>)
        %dma_wait3A = arith.constant 0 : i32
        %dma_wait3A_55 = arith.constant 0 : i32
        %dma_wait3A_56 = tpu.memref_slice %arg16[%dma_wait3A, %dma_wait3A_55] : memref<16x128xf32, #tpu.memory_space<vmem>> -> memref<8x128xf32, #tpu.memory_space<vmem>>
        %dma_wait3A_57 = arith.constant 0 : i32
        %dma_wait3A_58 = tpu.memref_slice %arg18[%add3A_45, %dma_wait3A_57] : memref<10320x128xf32, #tpu.memory_space<vmem_shared>> -> memref<8x128xf32, #tpu.memory_space<vmem_shared>>
        %dma_wait3A_59 = arith.constant 0 : i32
        %dma_wait3A_60 = tpu.memref_slice %arg18[%add3A_45, %dma_wait3A_59] : memref<10320x128xf32, #tpu.memory_space<vmem_shared>> -> memref<8x128xf32, #tpu.memory_space<vmem_shared>>
        %dma_wait3A_61 = arith.constant 0 : i32
        %dma_wait3A_62 = arith.constant 0 : i32
        %dma_wait3A_63 = tpu.memref_slice %arg16[%dma_wait3A_61, %dma_wait3A_62] : memref<16x128xf32, #tpu.memory_space<vmem>> -> memref<8x128xf32, #tpu.memory_space<vmem>>
        tpu.wait_dma2 semaphore(%run_scoped3A : memref<!tpu.dma_semaphore, #tpu.memory_space<semaphore_mem>>) src(%dma_wait3A_63 : memref<8x128xf32, #tpu.memory_space<vmem>>) dst(%dma_wait3A_60 : memref<8x128xf32, #tpu.memory_space<vmem_shared>>)
        tpu.yield
      }) : () -> ()
    } else {
    }
    %barrier3A = arith.constant 0 : index
    tpu.barrier barrier_id(%barrier3A)
    %mul3A_23 = arith.constant 10000 : i32
    %mul3A_24 = arith.muli %add3A, %mul3A_23 : i32
    %scan3A_25 = arith.constant 0 : i32
    %scan3A_26 = arith.constant 0 : i32
    %scan3A_27 = arith.constant 125 : i32
    %scan3A_28 = arith.addi %scan3A_26, %scan3A_27 : i32
    %scan3A_29 = arith.constant 1 : i32
    %scan3A_30 = scf.for %scan3A_42 = %scan3A_26 to %scan3A_28 step %scan3A_29 iter_args(%scan3A_43 = %scan3A_25) -> (i32)  : i32 {
      %mul3A_44 = arith.constant 80 : i32
      %mul3A_45 = arith.muli %scan3A_42, %mul3A_44 : i32
      %add3A_46 = arith.addi %mul3A_24, %mul3A_45 : i32
      "tpu.region"() ({
        %run_scoped3A = tpu.sem_alloc : memref<!tpu.dma_semaphore, #tpu.memory_space<semaphore_mem>>
        %dma_start3A_254 = tpu.memref_slice %arg5[%add3A_46] : memref<320000xi32, #tpu.memory_space<hbm>> -> memref<80xi32, #tpu.memory_space<hbm>>
        %dma_start3A_255 = tpu.memref_slice %arg5[%add3A_46] : memref<320000xi32, #tpu.memory_space<hbm>> -> memref<80xi32, #tpu.memory_space<hbm>>
        tpu.enqueue_dma source(%dma_start3A_255 : memref<80xi32, #tpu.memory_space<hbm>>) target(%arg9 : memref<80xi32, #tpu.memory_space<vmem>>) target_semaphore(%run_scoped3A : memref<!tpu.dma_semaphore, #tpu.memory_space<semaphore_mem>>)
        %dma_wait3A_256 = tpu.memref_slice %arg5[%add3A_46] : memref<320000xi32, #tpu.memory_space<hbm>> -> memref<80xi32, #tpu.memory_space<hbm>>
        %dma_wait3A_257 = tpu.memref_slice %arg5[%add3A_46] : memref<320000xi32, #tpu.memory_space<hbm>> -> memref<80xi32, #tpu.memory_space<hbm>>
        tpu.wait_dma2 semaphore(%run_scoped3A : memref<!tpu.dma_semaphore, #tpu.memory_space<semaphore_mem>>) src(%dma_wait3A_257 : memref<80xi32, #tpu.memory_space<hbm>>) dst(%arg9 : memref<80xi32, #tpu.memory_space<vmem>>)
        tpu.yield
      }) : () -> ()
      "tpu.region"() ({
        %run_scoped3A = tpu.sem_alloc : memref<!tpu.dma_semaphore, #tpu.memory_space<semaphore_mem>>
        %dma_start3A_254 = tpu.memref_slice %arg6[%add3A_46] : memref<320000xi32, #tpu.memory_space<hbm>> -> memref<80xi32, #tpu.memory_space<hbm>>
        %dma_start3A_255 = tpu.memref_slice %arg6[%add3A_46] : memref<320000xi32, #tpu.memory_space<hbm>> -> memref<80xi32, #tpu.memory_space<hbm>>
        tpu.enqueue_dma source(%dma_start3A_255 : memref<80xi32, #tpu.memory_space<hbm>>) target(%arg10 : memref<80xi32, #tpu.memory_space<vmem>>) target_semaphore(%run_scoped3A : memref<!tpu.dma_semaphore, #tpu.memory_space<semaphore_mem>>)
        %dma_wait3A_256 = tpu.memref_slice %arg6[%add3A_46] : memref<320000xi32, #tpu.memory_space<hbm>> -> memref<80xi32, #tpu.memory_space<hbm>>
        %dma_wait3A_257 = tpu.memref_slice %arg6[%add3A_46] : memref<320000xi32, #tpu.memory_space<hbm>> -> memref<80xi32, #tpu.memory_space<hbm>>
        tpu.wait_dma2 semaphore(%run_scoped3A : memref<!tpu.dma_semaphore, #tpu.memory_space<semaphore_mem>>) src(%dma_wait3A_257 : memref<80xi32, #tpu.memory_space<hbm>>) dst(%arg10 : memref<80xi32, #tpu.memory_space<vmem>>)
        tpu.yield
      }) : () -> ()
      %iota3A = tpu.iota {dimensions = array<i32: 0>} : vector<16xi32>
      %add3A_47 = arith.constant 0 : i32
      %add3A_48 = arith.addi %add3A_46, %add3A_47 : i32
      %add3A_49 = vector.broadcast %add3A_48 : i32 to vector<16xi32>
      %add3A_50 = arith.addi %iota3A, %add3A_49 : vector<16xi32>
      %swap3A = arith.constant 0 : index
      %swap3A_51 = tpu.vector_load %arg11[%swap3A] {strides = array<i32>} : memref<80xi32, #tpu.memory_space<vmem>>, vector<16xi32>,
      tpu.vector_store %arg11[%swap3A], %add3A_50 {strides = array<i32>} : memref<80xi32, #tpu.memory_space<vmem>>, vector<16xi32>,
      %iota3A_52 = tpu.iota {dimensions = array<i32: 0>} : vector<16xi32>
      %add3A_53 = arith.constant 16 : i32
      %add3A_54 = arith.addi %add3A_46, %add3A_53 : i32
      %add3A_55 = vector.broadcast %add3A_54 : i32 to vector<16xi32>
      %add3A_56 = arith.addi %iota3A_52, %add3A_55 : vector<16xi32>
      %swap3A_57 = arith.constant 16 : index
      %swap3A_58 = tpu.vector_load %arg11[%swap3A_57] {strides = array<i32>} : memref<80xi32, #tpu.memory_space<vmem>>, vector<16xi32>,
      tpu.vector_store %arg11[%swap3A_57], %add3A_56 {strides = array<i32>} : memref<80xi32, #tpu.memory_space<vmem>>, vector<16xi32>,
      %iota3A_59 = tpu.iota {dimensions = array<i32: 0>} : vector<16xi32>
      %add3A_60 = arith.constant 32 : i32
      %add3A_61 = arith.addi %add3A_46, %add3A_60 : i32
      %add3A_62 = vector.broadcast %add3A_61 : i32 to vector<16xi32>
      %add3A_63 = arith.addi %iota3A_59, %add3A_62 : vector<16xi32>
      %swap3A_64 = arith.constant 32 : index
      %swap3A_65 = tpu.vector_load %arg11[%swap3A_64] {strides = array<i32>} : memref<80xi32, #tpu.memory_space<vmem>>, vector<16xi32>,
      tpu.vector_store %arg11[%swap3A_64], %add3A_63 {strides = array<i32>} : memref<80xi32, #tpu.memory_space<vmem>>, vector<16xi32>,
      %iota3A_66 = tpu.iota {dimensions = array<i32: 0>} : vector<16xi32>
      %add3A_67 = arith.constant 48 : i32
      %add3A_68 = arith.addi %add3A_46, %add3A_67 : i32
      %add3A_69 = vector.broadcast %add3A_68 : i32 to vector<16xi32>
      %add3A_70 = arith.addi %iota3A_66, %add3A_69 : vector<16xi32>
      %swap3A_71 = arith.constant 48 : index
      %swap3A_72 = tpu.vector_load %arg11[%swap3A_71] {strides = array<i32>} : memref<80xi32, #tpu.memory_space<vmem>>, vector<16xi32>,
      tpu.vector_store %arg11[%swap3A_71], %add3A_70 {strides = array<i32>} : memref<80xi32, #tpu.memory_space<vmem>>, vector<16xi32>,
      %iota3A_73 = tpu.iota {dimensions = array<i32: 0>} : vector<16xi32>
      %add3A_74 = arith.constant 64 : i32
      %add3A_75 = arith.addi %add3A_46, %add3A_74 : i32
      %add3A_76 = vector.broadcast %add3A_75 : i32 to vector<16xi32>
      %add3A_77 = arith.addi %iota3A_73, %add3A_76 : vector<16xi32>
      %swap3A_78 = arith.constant 64 : index
      %swap3A_79 = tpu.vector_load %arg11[%swap3A_78] {strides = array<i32>} : memref<80xi32, #tpu.memory_space<vmem>>, vector<16xi32>,
      tpu.vector_store %arg11[%swap3A_78], %add3A_77 {strides = array<i32>} : memref<80xi32, #tpu.memory_space<vmem>>, vector<16xi32>,
      %dma_start3A = arith.constant 0 : i32
      %dma_start3A_80 = arith.constant 0 : i32
      %dma_start3A_81 = tpu.memref_slice %arg2[%dma_start3A, %dma_start3A_80] : memref<10000x128xf32, #tpu.memory_space<hbm>> -> memref<10000x128xf32, #tpu.memory_space<hbm>>
      tpu.enqueue_indirect_dma source(%dma_start3A_81 : memref<10000x128xf32, #tpu.memory_space<hbm>>) target(%arg12 : memref<80x128xf32, #tpu.memory_space<vmem>>) offsets(%arg9 : memref<80xi32, #tpu.memory_space<vmem>>) semaphore(%arg19 : memref<!tpu.dma_semaphore, #tpu.memory_space<semaphore_mem>>)
      %dma_start3A_82 = arith.constant 0 : i32
      %dma_start3A_83 = arith.constant 0 : i32
      %dma_start3A_84 = tpu.memref_slice %arg3[%dma_start3A_82, %dma_start3A_83] : memref<10000x128xf32, #tpu.memory_space<hbm>> -> memref<10000x128xf32, #tpu.memory_space<hbm>>
      tpu.enqueue_indirect_dma source(%dma_start3A_84 : memref<10000x128xf32, #tpu.memory_space<hbm>>) target(%arg13 : memref<80x128xf32, #tpu.memory_space<vmem>>) offsets(%arg10 : memref<80xi32, #tpu.memory_space<vmem>>) semaphore(%arg20 : memref<!tpu.dma_semaphore, #tpu.memory_space<semaphore_mem>>)
      %dma_wait3A = arith.constant 0 : i32
      %dma_wait3A_85 = arith.constant 0 : i32
      %dma_wait3A_86 = tpu.memref_slice %arg3[%dma_wait3A, %dma_wait3A_85] : memref<10000x128xf32, #tpu.memory_space<hbm>> -> memref<10000x128xf32, #tpu.memory_space<hbm>>
      tpu.wait_indirect_dma semaphore(%arg20 : memref<!tpu.dma_semaphore, #tpu.memory_space<semaphore_mem>>) src(%dma_wait3A_86 : memref<10000x128xf32, #tpu.memory_space<hbm>>) dst(%arg13 : memref<80x128xf32, #tpu.memory_space<vmem>>)
      %dma_start3A_87 = arith.constant 0 : i32
      %dma_start3A_88 = arith.constant 0 : i32
      %dma_start3A_89 = tpu.memref_slice %arg4[%dma_start3A_87, %dma_start3A_88] : memref<320000x128xf32, #tpu.memory_space<hbm>> -> memref<320000x128xf32, #tpu.memory_space<hbm>>
      tpu.enqueue_indirect_dma source(%dma_start3A_89 : memref<320000x128xf32, #tpu.memory_space<hbm>>) target(%arg13 : memref<80x128xf32, #tpu.memory_space<vmem>>) offsets(%arg11 : memref<80xi32, #tpu.memory_space<vmem>>) semaphore(%arg21 : memref<!tpu.dma_semaphore, #tpu.memory_space<semaphore_mem>>) {add = true}
      %dma_wait3A_90 = arith.constant 0 : i32
      %dma_wait3A_91 = arith.constant 0 : i32
      %dma_wait3A_92 = tpu.memref_slice %arg2[%dma_wait3A_90, %dma_wait3A_91] : memref<10000x128xf32, #tpu.memory_space<hbm>> -> memref<10000x128xf32, #tpu.memory_space<hbm>>
      tpu.wait_indirect_dma semaphore(%arg19 : memref<!tpu.dma_semaphore, #tpu.memory_space<semaphore_mem>>) src(%dma_wait3A_92 : memref<10000x128xf32, #tpu.memory_space<hbm>>) dst(%arg12 : memref<80x128xf32, #tpu.memory_space<vmem>>)
      %dma_wait3A_93 = arith.constant 0 : i32
      %dma_wait3A_94 = arith.constant 0 : i32
      %dma_wait3A_95 = tpu.memref_slice %arg4[%dma_wait3A_93, %dma_wait3A_94] : memref<320000x128xf32, #tpu.memory_space<hbm>> -> memref<320000x128xf32, #tpu.memory_space<hbm>>
      tpu.wait_indirect_dma semaphore(%arg21 : memref<!tpu.dma_semaphore, #tpu.memory_space<semaphore_mem>>) src(%dma_wait3A_95 : memref<320000x128xf32, #tpu.memory_space<hbm>>) dst(%arg13 : memref<80x128xf32, #tpu.memory_space<vmem>>)
      %scan3A_96 = arith.constant 0 : i32
      %scan3A_97 = arith.constant 0 : i32
      %scan3A_98 = arith.constant 80 : i32
      %scan3A_99 = arith.addi %scan3A_97, %scan3A_98 : i32
      %scan3A_100 = arith.constant 1 : i32
      %scan3A_101 = scf.for %scan3A_254 = %scan3A_97 to %scan3A_99 step %scan3A_100 iter_args(%scan3A_255 = %scan3A_96) -> (i32)  : i32 {
        %broadcast_in_dim3A_256 = arith.constant 0.000000e+00 : f32
        %broadcast_in_dim3A_257 = vector.broadcast %broadcast_in_dim3A_256 : f32 to vector<16xf32>
        %get3A_258 = arith.index_cast %scan3A_254 : i32 to index
        %get3A_259 = arith.constant 0 : index
        %get3A_260 = tpu.vector_load %arg12[%get3A_258, %get3A_259] {strides = array<i32>} : memref<80x128xf32, #tpu.memory_space<vmem>>, vector<16xf32>,
        %get3A_261 = arith.index_cast %scan3A_254 : i32 to index
        %get3A_262 = arith.constant 0 : index
        %get3A_263 = tpu.vector_load %arg13[%get3A_261, %get3A_262] {strides = array<i32>} : memref<80x128xf32, #tpu.memory_space<vmem>>, vector<16xf32>,
        %add3A_264 = arith.addf %get3A_260, %get3A_263 : vector<16xf32>
        %mul3A_265 = arith.constant 2.000000e-01 : f32
        %mul3A_266 = vector.broadcast %mul3A_265 : f32 to vector<16xf32>
        %mul3A_267 = arith.mulf %mul3A_266, %add3A_264 : vector<16xf32>
        %max3A = arith.maximumf %add3A_264, %mul3A_267 : vector<16xf32>
        %get3A_268 = arith.constant 0 : index
        %get3A_269 = tpu.vector_load %arg17[%get3A_268] {strides = array<i32>} : memref<128xf32, #tpu.memory_space<vmem>>, vector<16xf32>,
        %mul3A_270 = arith.mulf %max3A, %get3A_269 : vector<16xf32>
        %add3A_271 = arith.addf %broadcast_in_dim3A_257, %mul3A_270 : vector<16xf32>
        %get3A_272 = arith.index_cast %scan3A_254 : i32 to index
        %get3A_273 = arith.constant 16 : index
        %get3A_274 = tpu.vector_load %arg12[%get3A_272, %get3A_273] {strides = array<i32>} : memref<80x128xf32, #tpu.memory_space<vmem>>, vector<16xf32>,
        %get3A_275 = arith.index_cast %scan3A_254 : i32 to index
        %get3A_276 = arith.constant 16 : index
        %get3A_277 = tpu.vector_load %arg13[%get3A_275, %get3A_276] {strides = array<i32>} : memref<80x128xf32, #tpu.memory_space<vmem>>, vector<16xf32>,
        %add3A_278 = arith.addf %get3A_274, %get3A_277 : vector<16xf32>
        %mul3A_279 = arith.constant 2.000000e-01 : f32
        %mul3A_280 = vector.broadcast %mul3A_279 : f32 to vector<16xf32>
        %mul3A_281 = arith.mulf %mul3A_280, %add3A_278 : vector<16xf32>
        %max3A_282 = arith.maximumf %add3A_278, %mul3A_281 : vector<16xf32>
        %get3A_283 = arith.constant 16 : index
        %get3A_284 = tpu.vector_load %arg17[%get3A_283] {strides = array<i32>} : memref<128xf32, #tpu.memory_space<vmem>>, vector<16xf32>,
        %mul3A_285 = arith.mulf %max3A_282, %get3A_284 : vector<16xf32>
        %add3A_286 = arith.addf %add3A_271, %mul3A_285 : vector<16xf32>
        %get3A_287 = arith.index_cast %scan3A_254 : i32 to index
        %get3A_288 = arith.constant 32 : index
        %get3A_289 = tpu.vector_load %arg12[%get3A_287, %get3A_288] {strides = array<i32>} : memref<80x128xf32, #tpu.memory_space<vmem>>, vector<16xf32>,
        %get3A_290 = arith.index_cast %scan3A_254 : i32 to index
        %get3A_291 = arith.constant 32 : index
        %get3A_292 = tpu.vector_load %arg13[%get3A_290, %get3A_291] {strides = array<i32>} : memref<80x128xf32, #tpu.memory_space<vmem>>, vector<16xf32>,
        %add3A_293 = arith.addf %get3A_289, %get3A_292 : vector<16xf32>
        %mul3A_294 = arith.constant 2.000000e-01 : f32
        %mul3A_295 = vector.broadcast %mul3A_294 : f32 to vector<16xf32>
        %mul3A_296 = arith.mulf %mul3A_295, %add3A_293 : vector<16xf32>
        %max3A_297 = arith.maximumf %add3A_293, %mul3A_296 : vector<16xf32>
        %get3A_298 = arith.constant 32 : index
        %get3A_299 = tpu.vector_load %arg17[%get3A_298] {strides = array<i32>} : memref<128xf32, #tpu.memory_space<vmem>>, vector<16xf32>,
        %mul3A_300 = arith.mulf %max3A_297, %get3A_299 : vector<16xf32>
        %add3A_301 = arith.addf %add3A_286, %mul3A_300 : vector<16xf32>
        %get3A_302 = arith.index_cast %scan3A_254 : i32 to index
        %get3A_303 = arith.constant 48 : index
        %get3A_304 = tpu.vector_load %arg12[%get3A_302, %get3A_303] {strides = array<i32>} : memref<80x128xf32, #tpu.memory_space<vmem>>, vector<16xf32>,
        %get3A_305 = arith.index_cast %scan3A_254 : i32 to index
        %get3A_306 = arith.constant 48 : index
        %get3A_307 = tpu.vector_load %arg13[%get3A_305, %get3A_306] {strides = array<i32>} : memref<80x128xf32, #tpu.memory_space<vmem>>, vector<16xf32>,
        %add3A_308 = arith.addf %get3A_304, %get3A_307 : vector<16xf32>
        %mul3A_309 = arith.constant 2.000000e-01 : f32
        %mul3A_310 = vector.broadcast %mul3A_309 : f32 to vector<16xf32>
        %mul3A_311 = arith.mulf %mul3A_310, %add3A_308 : vector<16xf32>
        %max3A_312 = arith.maximumf %add3A_308, %mul3A_311 : vector<16xf32>
        %get3A_313 = arith.constant 48 : index
        %get3A_314 = tpu.vector_load %arg17[%get3A_313] {strides = array<i32>} : memref<128xf32, #tpu.memory_space<vmem>>, vector<16xf32>,
        %mul3A_315 = arith.mulf %max3A_312, %get3A_314 : vector<16xf32>
        %add3A_316 = arith.addf %add3A_301, %mul3A_315 : vector<16xf32>
        %get3A_317 = arith.index_cast %scan3A_254 : i32 to index
        %get3A_318 = arith.constant 64 : index
        %get3A_319 = tpu.vector_load %arg12[%get3A_317, %get3A_318] {strides = array<i32>} : memref<80x128xf32, #tpu.memory_space<vmem>>, vector<16xf32>,
        %get3A_320 = arith.index_cast %scan3A_254 : i32 to index
        %get3A_321 = arith.constant 64 : index
        %get3A_322 = tpu.vector_load %arg13[%get3A_320, %get3A_321] {strides = array<i32>} : memref<80x128xf32, #tpu.memory_space<vmem>>, vector<16xf32>,
        %add3A_323 = arith.addf %get3A_319, %get3A_322 : vector<16xf32>
        %mul3A_324 = arith.constant 2.000000e-01 : f32
        %mul3A_325 = vector.broadcast %mul3A_324 : f32 to vector<16xf32>
        %mul3A_326 = arith.mulf %mul3A_325, %add3A_323 : vector<16xf32>
        %max3A_327 = arith.maximumf %add3A_323, %mul3A_326 : vector<16xf32>
        %get3A_328 = arith.constant 64 : index
        %get3A_329 = tpu.vector_load %arg17[%get3A_328] {strides = array<i32>} : memref<128xf32, #tpu.memory_space<vmem>>, vector<16xf32>,
        %mul3A_330 = arith.mulf %max3A_327, %get3A_329 : vector<16xf32>
        %add3A_331 = arith.addf %add3A_316, %mul3A_330 : vector<16xf32>
        %get3A_332 = arith.index_cast %scan3A_254 : i32 to index
        %get3A_333 = arith.constant 80 : index
        %get3A_334 = tpu.vector_load %arg12[%get3A_332, %get3A_333] {strides = array<i32>} : memref<80x128xf32, #tpu.memory_space<vmem>>, vector<16xf32>,
        %get3A_335 = arith.index_cast %scan3A_254 : i32 to index
        %get3A_336 = arith.constant 80 : index
        %get3A_337 = tpu.vector_load %arg13[%get3A_335, %get3A_336] {strides = array<i32>} : memref<80x128xf32, #tpu.memory_space<vmem>>, vector<16xf32>,
        %add3A_338 = arith.addf %get3A_334, %get3A_337 : vector<16xf32>
        %mul3A_339 = arith.constant 2.000000e-01 : f32
        %mul3A_340 = vector.broadcast %mul3A_339 : f32 to vector<16xf32>
        %mul3A_341 = arith.mulf %mul3A_340, %add3A_338 : vector<16xf32>
        %max3A_342 = arith.maximumf %add3A_338, %mul3A_341 : vector<16xf32>
        %get3A_343 = arith.constant 80 : index
        %get3A_344 = tpu.vector_load %arg17[%get3A_343] {strides = array<i32>} : memref<128xf32, #tpu.memory_space<vmem>>, vector<16xf32>,
        %mul3A_345 = arith.mulf %max3A_342, %get3A_344 : vector<16xf32>
        %add3A_346 = arith.addf %add3A_331, %mul3A_345 : vector<16xf32>
        %get3A_347 = arith.index_cast %scan3A_254 : i32 to index
        %get3A_348 = arith.constant 96 : index
        %get3A_349 = tpu.vector_load %arg12[%get3A_347, %get3A_348] {strides = array<i32>} : memref<80x128xf32, #tpu.memory_space<vmem>>, vector<16xf32>,
        %get3A_350 = arith.index_cast %scan3A_254 : i32 to index
        %get3A_351 = arith.constant 96 : index
        %get3A_352 = tpu.vector_load %arg13[%get3A_350, %get3A_351] {strides = array<i32>} : memref<80x128xf32, #tpu.memory_space<vmem>>, vector<16xf32>,
        %add3A_353 = arith.addf %get3A_349, %get3A_352 : vector<16xf32>
        %mul3A_354 = arith.constant 2.000000e-01 : f32
        %mul3A_355 = vector.broadcast %mul3A_354 : f32 to vector<16xf32>
        %mul3A_356 = arith.mulf %mul3A_355, %add3A_353 : vector<16xf32>
        %max3A_357 = arith.maximumf %add3A_353, %mul3A_356 : vector<16xf32>
        %get3A_358 = arith.constant 96 : index
        %get3A_359 = tpu.vector_load %arg17[%get3A_358] {strides = array<i32>} : memref<128xf32, #tpu.memory_space<vmem>>, vector<16xf32>,
        %mul3A_360 = arith.mulf %max3A_357, %get3A_359 : vector<16xf32>
        %add3A_361 = arith.addf %add3A_346, %mul3A_360 : vector<16xf32>
        %get3A_362 = arith.index_cast %scan3A_254 : i32 to index
        %get3A_363 = arith.constant 112 : index
        %get3A_364 = tpu.vector_load %arg12[%get3A_362, %get3A_363] {strides = array<i32>} : memref<80x128xf32, #tpu.memory_space<vmem>>, vector<16xf32>,
        %get3A_365 = arith.index_cast %scan3A_254 : i32 to index
        %get3A_366 = arith.constant 112 : index
        %get3A_367 = tpu.vector_load %arg13[%get3A_365, %get3A_366] {strides = array<i32>} : memref<80x128xf32, #tpu.memory_space<vmem>>, vector<16xf32>,
        %add3A_368 = arith.addf %get3A_364, %get3A_367 : vector<16xf32>
        %mul3A_369 = arith.constant 2.000000e-01 : f32
        %mul3A_370 = vector.broadcast %mul3A_369 : f32 to vector<16xf32>
        %mul3A_371 = arith.mulf %mul3A_370, %add3A_368 : vector<16xf32>
        %max3A_372 = arith.maximumf %add3A_368, %mul3A_371 : vector<16xf32>
        %get3A_373 = arith.constant 112 : index
        %get3A_374 = tpu.vector_load %arg17[%get3A_373] {strides = array<i32>} : memref<128xf32, #tpu.memory_space<vmem>>, vector<16xf32>,
        %mul3A_375 = arith.mulf %max3A_372, %get3A_374 : vector<16xf32>
        %add3A_376 = arith.addf %add3A_361, %mul3A_375 : vector<16xf32>
        %reduce_sum3A = arith.constant true
        %reduce_sum3A_377 = vector.broadcast %reduce_sum3A : i1 to vector<16xi1>
        %reduce_sum3A_378 = tpu.scan <sum>, %add3A_376 masked %reduce_sum3A_377 : vector<16xf32>, vector<16xi1> -> vector<16xf32>
        %reduce_sum3A_379 = vector.extract %reduce_sum3A_378[15] : f32 from vector<16xf32>
        %broadcast_in_dim3A_380 = vector.broadcast %reduce_sum3A_379 : f32 to vector<16xf32>
        %exp3A = math.exp %broadcast_in_dim3A_380 : vector<16xf32>
        %get3A_381 = arith.index_cast %scan3A_254 : i32 to index
        %get3A_382 = arith.constant 0 : index
        %get3A_383 = tpu.vector_load %arg12[%get3A_381, %get3A_382] {strides = array<i32>} : memref<80x128xf32, #tpu.memory_space<vmem>>, vector<16xf32>,
        %mul3A_384 = arith.mulf %exp3A, %get3A_383 : vector<16xf32>
        %swap3A_385 = arith.index_cast %scan3A_254 : i32 to index
        %swap3A_386 = arith.constant 0 : index
        %swap3A_387 = tpu.vector_load %arg12[%swap3A_385, %swap3A_386] {strides = array<i32>} : memref<80x128xf32, #tpu.memory_space<vmem>>, vector<16xf32>,
        tpu.vector_store %arg12[%swap3A_385, %swap3A_386], %mul3A_384 {strides = array<i32>} : memref<80x128xf32, #tpu.memory_space<vmem>>, vector<16xf32>,
        %get3A_388 = arith.index_cast %scan3A_254 : i32 to index
        %get3A_389 = arith.constant 16 : index
        %get3A_390 = tpu.vector_load %arg12[%get3A_388, %get3A_389] {strides = array<i32>} : memref<80x128xf32, #tpu.memory_space<vmem>>, vector<16xf32>,
        %mul3A_391 = arith.mulf %exp3A, %get3A_390 : vector<16xf32>
        %swap3A_392 = arith.index_cast %scan3A_254 : i32 to index
        %swap3A_393 = arith.constant 16 : index
        %swap3A_394 = tpu.vector_load %arg12[%swap3A_392, %swap3A_393] {strides = array<i32>} : memref<80x128xf32, #tpu.memory_space<vmem>>, vector<16xf32>,
        tpu.vector_store %arg12[%swap3A_392, %swap3A_393], %mul3A_391 {strides = array<i32>} : memref<80x128xf32, #tpu.memory_space<vmem>>, vector<16xf32>,
        %get3A_395 = arith.index_cast %scan3A_254 : i32 to index
        %get3A_396 = arith.constant 32 : index
        %get3A_397 = tpu.vector_load %arg12[%get3A_395, %get3A_396] {strides = array<i32>} : memref<80x128xf32, #tpu.memory_space<vmem>>, vector<16xf32>,
        %mul3A_398 = arith.mulf %exp3A, %get3A_397 : vector<16xf32>
        %swap3A_399 = arith.index_cast %scan3A_254 : i32 to index
        %swap3A_400 = arith.constant 32 : index
        %swap3A_401 = tpu.vector_load %arg12[%swap3A_399, %swap3A_400] {strides = array<i32>} : memref<80x128xf32, #tpu.memory_space<vmem>>, vector<16xf32>,
        tpu.vector_store %arg12[%swap3A_399, %swap3A_400], %mul3A_398 {strides = array<i32>} : memref<80x128xf32, #tpu.memory_space<vmem>>, vector<16xf32>,
        %get3A_402 = arith.index_cast %scan3A_254 : i32 to index
        %get3A_403 = arith.constant 48 : index
        %get3A_404 = tpu.vector_load %arg12[%get3A_402, %get3A_403] {strides = array<i32>} : memref<80x128xf32, #tpu.memory_space<vmem>>, vector<16xf32>,
        %mul3A_405 = arith.mulf %exp3A, %get3A_404 : vector<16xf32>
        %swap3A_406 = arith.index_cast %scan3A_254 : i32 to index
        %swap3A_407 = arith.constant 48 : index
        %swap3A_408 = tpu.vector_load %arg12[%swap3A_406, %swap3A_407] {strides = array<i32>} : memref<80x128xf32, #tpu.memory_space<vmem>>, vector<16xf32>,
        tpu.vector_store %arg12[%swap3A_406, %swap3A_407], %mul3A_405 {strides = array<i32>} : memref<80x128xf32, #tpu.memory_space<vmem>>, vector<16xf32>,
        %get3A_409 = arith.index_cast %scan3A_254 : i32 to index
        %get3A_410 = arith.constant 64 : index
        %get3A_411 = tpu.vector_load %arg12[%get3A_409, %get3A_410] {strides = array<i32>} : memref<80x128xf32, #tpu.memory_space<vmem>>, vector<16xf32>,
        %mul3A_412 = arith.mulf %exp3A, %get3A_411 : vector<16xf32>
        %swap3A_413 = arith.index_cast %scan3A_254 : i32 to index
        %swap3A_414 = arith.constant 64 : index
        %swap3A_415 = tpu.vector_load %arg12[%swap3A_413, %swap3A_414] {strides = array<i32>} : memref<80x128xf32, #tpu.memory_space<vmem>>, vector<16xf32>,
        tpu.vector_store %arg12[%swap3A_413, %swap3A_414], %mul3A_412 {strides = array<i32>} : memref<80x128xf32, #tpu.memory_space<vmem>>, vector<16xf32>,
        %get3A_416 = arith.index_cast %scan3A_254 : i32 to index
        %get3A_417 = arith.constant 80 : index
        %get3A_418 = tpu.vector_load %arg12[%get3A_416, %get3A_417] {strides = array<i32>} : memref<80x128xf32, #tpu.memory_space<vmem>>, vector<16xf32>,
        %mul3A_419 = arith.mulf %exp3A, %get3A_418 : vector<16xf32>
        %swap3A_420 = arith.index_cast %scan3A_254 : i32 to index
        %swap3A_421 = arith.constant 80 : index
        %swap3A_422 = tpu.vector_load %arg12[%swap3A_420, %swap3A_421] {strides = array<i32>} : memref<80x128xf32, #tpu.memory_space<vmem>>, vector<16xf32>,
        tpu.vector_store %arg12[%swap3A_420, %swap3A_421], %mul3A_419 {strides = array<i32>} : memref<80x128xf32, #tpu.memory_space<vmem>>, vector<16xf32>,
        %get3A_423 = arith.index_cast %scan3A_254 : i32 to index
        %get3A_424 = arith.constant 96 : index
        %get3A_425 = tpu.vector_load %arg12[%get3A_423, %get3A_424] {strides = array<i32>} : memref<80x128xf32, #tpu.memory_space<vmem>>, vector<16xf32>,
        %mul3A_426 = arith.mulf %exp3A, %get3A_425 : vector<16xf32>
        %swap3A_427 = arith.index_cast %scan3A_254 : i32 to index
        %swap3A_428 = arith.constant 96 : index
        %swap3A_429 = tpu.vector_load %arg12[%swap3A_427, %swap3A_428] {strides = array<i32>} : memref<80x128xf32, #tpu.memory_space<vmem>>, vector<16xf32>,
        tpu.vector_store %arg12[%swap3A_427, %swap3A_428], %mul3A_426 {strides = array<i32>} : memref<80x128xf32, #tpu.memory_space<vmem>>, vector<16xf32>,
        %get3A_430 = arith.index_cast %scan3A_254 : i32 to index
        %get3A_431 = arith.constant 112 : index
        %get3A_432 = tpu.vector_load %arg12[%get3A_430, %get3A_431] {strides = array<i32>} : memref<80x128xf32, #tpu.memory_space<vmem>>, vector<16xf32>,
        %mul3A_433 = arith.mulf %exp3A, %get3A_432 : vector<16xf32>
        %swap3A_434 = arith.index_cast %scan3A_254 : i32 to index
        %swap3A_435 = arith.constant 112 : index
        %swap3A_436 = tpu.vector_load %arg12[%swap3A_434, %swap3A_435] {strides = array<i32>} : memref<80x128xf32, #tpu.memory_space<vmem>>, vector<16xf32>,
        tpu.vector_store %arg12[%swap3A_434, %swap3A_435], %mul3A_433 {strides = array<i32>} : memref<80x128xf32, #tpu.memory_space<vmem>>, vector<16xf32>,
        %swap3A_437 = arith.index_cast %scan3A_254 : i32 to index
        %swap3A_438 = arith.constant 0 : index
        %swap3A_439 = tpu.vector_load %arg15[%swap3A_437, %swap3A_438] {strides = array<i32>} : memref<80x16xf32, #tpu.memory_space<vmem>>, vector<16xf32>,
        tpu.vector_store %arg15[%swap3A_437, %swap3A_438], %exp3A {strides = array<i32>} : memref<80x16xf32, #tpu.memory_space<vmem>>, vector<16xf32>,
        %scan3A_440 = arith.constant 0 : i32
        scf.yield %scan3A_440 : i32
      }
      %scan3A_102 = arith.constant 80 : i32
      %iota3A_103 = tpu.iota {dimensions = array<i32: 0>} : vector<16xi32>
      %add3A_104 = arith.constant 0 : i32
      %add3A_105 = vector.broadcast %add3A_104 : i32 to vector<16xi32>
      %add3A_106 = arith.addi %iota3A_103, %add3A_105 : vector<16xi32>
      %get3A = arith.constant 0 : index
      %get3A_107 = tpu.vector_load %arg10[%get3A] {strides = array<i32>} : memref<80xi32, #tpu.memory_space<vmem>>, vector<16xi32>,
      %broadcast_in_dim3A = arith.constant 0 : i32
      %broadcast_in_dim3A_108 = vector.broadcast %broadcast_in_dim3A : i32 to vector<16xi32>
      %gather3A = tpu.vector_load_idx %arg15[%add3A_106, %broadcast_in_dim3A_108] : memref<80x16xf32, #tpu.memory_space<vmem>>[vector<16xi32>, vector<16xi32>], vector<16xf32>,
      %and3A = arith.constant 127 : i32
      %and3A_109 = vector.broadcast %and3A : i32 to vector<16xi32>
      %and3A_110 = arith.andi %get3A_107, %and3A_109 : vector<16xi32>
      tpu.vector_store_idx %arg14[%add3A_106, %and3A_110], %gather3A : memref<80x128xf32, #tpu.memory_space<vmem>>[vector<16xi32>, vector<16xi32>], vector<16xf32>,
      %shift_right_logical3A = arith.constant 7 : i32
      %shift_right_logical3A_111 = vector.broadcast %shift_right_logical3A : i32 to vector<16xi32>
      %shift_right_logical3A_112 = arith.shrui %get3A_107, %shift_right_logical3A_111 : vector<16xi32>
      %add3A_113 = arith.constant 10240 : i32
      %add3A_114 = vector.broadcast %add3A_113 : i32 to vector<16xi32>
      %add3A_115 = arith.addi %shift_right_logical3A_112, %add3A_114 : vector<16xi32>
      %swap3A_116 = arith.constant 0 : index
      %swap3A_117 = tpu.vector_load %arg11[%swap3A_116] {strides = array<i32>} : memref<80xi32, #tpu.memory_space<vmem>>, vector<16xi32>,
      tpu.vector_store %arg11[%swap3A_116], %add3A_115 {strides = array<i32>} : memref<80xi32, #tpu.memory_space<vmem>>, vector<16xi32>,
      %iota3A_118 = tpu.iota {dimensions = array<i32: 0>} : vector<16xi32>
      %add3A_119 = arith.constant 16 : i32
      %add3A_120 = vector.broadcast %add3A_119 : i32 to vector<16xi32>
      %add3A_121 = arith.addi %iota3A_118, %add3A_120 : vector<16xi32>
      %get3A_122 = arith.constant 16 : index
      %get3A_123 = tpu.vector_load %arg10[%get3A_122] {strides = array<i32>} : memref<80xi32, #tpu.memory_space<vmem>>, vector<16xi32>,
      %broadcast_in_dim3A_124 = arith.constant 0 : i32
      %broadcast_in_dim3A_125 = vector.broadcast %broadcast_in_dim3A_124 : i32 to vector<16xi32>
      %gather3A_126 = tpu.vector_load_idx %arg15[%add3A_121, %broadcast_in_dim3A_125] : memref<80x16xf32, #tpu.memory_space<vmem>>[vector<16xi32>, vector<16xi32>], vector<16xf32>,
      %and3A_127 = arith.constant 127 : i32
      %and3A_128 = vector.broadcast %and3A_127 : i32 to vector<16xi32>
      %and3A_129 = arith.andi %get3A_123, %and3A_128 : vector<16xi32>
      tpu.vector_store_idx %arg14[%add3A_121, %and3A_129], %gather3A_126 : memref<80x128xf32, #tpu.memory_space<vmem>>[vector<16xi32>, vector<16xi32>], vector<16xf32>,
      %shift_right_logical3A_130 = arith.constant 7 : i32
      %shift_right_logical3A_131 = vector.broadcast %shift_right_logical3A_130 : i32 to vector<16xi32>
      %shift_right_logical3A_132 = arith.shrui %get3A_123, %shift_right_logical3A_131 : vector<16xi32>
      %add3A_133 = arith.constant 10240 : i32
      %add3A_134 = vector.broadcast %add3A_133 : i32 to vector<16xi32>
      %add3A_135 = arith.addi %shift_right_logical3A_132, %add3A_134 : vector<16xi32>
      %swap3A_136 = arith.constant 16 : index
      %swap3A_137 = tpu.vector_load %arg11[%swap3A_136] {strides = array<i32>} : memref<80xi32, #tpu.memory_space<vmem>>, vector<16xi32>,
      tpu.vector_store %arg11[%swap3A_136], %add3A_135 {strides = array<i32>} : memref<80xi32, #tpu.memory_space<vmem>>, vector<16xi32>,
      %iota3A_138 = tpu.iota {dimensions = array<i32: 0>} : vector<16xi32>
      %add3A_139 = arith.constant 32 : i32
      %add3A_140 = vector.broadcast %add3A_139 : i32 to vector<16xi32>
      %add3A_141 = arith.addi %iota3A_138, %add3A_140 : vector<16xi32>
      %get3A_142 = arith.constant 32 : index
      %get3A_143 = tpu.vector_load %arg10[%get3A_142] {strides = array<i32>} : memref<80xi32, #tpu.memory_space<vmem>>, vector<16xi32>,
      %broadcast_in_dim3A_144 = arith.constant 0 : i32
      %broadcast_in_dim3A_145 = vector.broadcast %broadcast_in_dim3A_144 : i32 to vector<16xi32>
      %gather3A_146 = tpu.vector_load_idx %arg15[%add3A_141, %broadcast_in_dim3A_145] : memref<80x16xf32, #tpu.memory_space<vmem>>[vector<16xi32>, vector<16xi32>], vector<16xf32>,
      %and3A_147 = arith.constant 127 : i32
      %and3A_148 = vector.broadcast %and3A_147 : i32 to vector<16xi32>
      %and3A_149 = arith.andi %get3A_143, %and3A_148 : vector<16xi32>
      tpu.vector_store_idx %arg14[%add3A_141, %and3A_149], %gather3A_146 : memref<80x128xf32, #tpu.memory_space<vmem>>[vector<16xi32>, vector<16xi32>], vector<16xf32>,
      %shift_right_logical3A_150 = arith.constant 7 : i32
      %shift_right_logical3A_151 = vector.broadcast %shift_right_logical3A_150 : i32 to vector<16xi32>
      %shift_right_logical3A_152 = arith.shrui %get3A_143, %shift_right_logical3A_151 : vector<16xi32>
      %add3A_153 = arith.constant 10240 : i32
      %add3A_154 = vector.broadcast %add3A_153 : i32 to vector<16xi32>
      %add3A_155 = arith.addi %shift_right_logical3A_152, %add3A_154 : vector<16xi32>
      %swap3A_156 = arith.constant 32 : index
      %swap3A_157 = tpu.vector_load %arg11[%swap3A_156] {strides = array<i32>} : memref<80xi32, #tpu.memory_space<vmem>>, vector<16xi32>,
      tpu.vector_store %arg11[%swap3A_156], %add3A_155 {strides = array<i32>} : memref<80xi32, #tpu.memory_space<vmem>>, vector<16xi32>,
      %iota3A_158 = tpu.iota {dimensions = array<i32: 0>} : vector<16xi32>
      %add3A_159 = arith.constant 48 : i32
      %add3A_160 = vector.broadcast %add3A_159 : i32 to vector<16xi32>
      %add3A_161 = arith.addi %iota3A_158, %add3A_160 : vector<16xi32>
      %get3A_162 = arith.constant 48 : index
      %get3A_163 = tpu.vector_load %arg10[%get3A_162] {strides = array<i32>} : memref<80xi32, #tpu.memory_space<vmem>>, vector<16xi32>,
      %broadcast_in_dim3A_164 = arith.constant 0 : i32
      %broadcast_in_dim3A_165 = vector.broadcast %broadcast_in_dim3A_164 : i32 to vector<16xi32>
      %gather3A_166 = tpu.vector_load_idx %arg15[%add3A_161, %broadcast_in_dim3A_165] : memref<80x16xf32, #tpu.memory_space<vmem>>[vector<16xi32>, vector<16xi32>], vector<16xf32>,
      %and3A_167 = arith.constant 127 : i32
      %and3A_168 = vector.broadcast %and3A_167 : i32 to vector<16xi32>
      %and3A_169 = arith.andi %get3A_163, %and3A_168 : vector<16xi32>
      tpu.vector_store_idx %arg14[%add3A_161, %and3A_169], %gather3A_166 : memref<80x128xf32, #tpu.memory_space<vmem>>[vector<16xi32>, vector<16xi32>], vector<16xf32>,
      %shift_right_logical3A_170 = arith.constant 7 : i32
      %shift_right_logical3A_171 = vector.broadcast %shift_right_logical3A_170 : i32 to vector<16xi32>
      %shift_right_logical3A_172 = arith.shrui %get3A_163, %shift_right_logical3A_171 : vector<16xi32>
      %add3A_173 = arith.constant 10240 : i32
      %add3A_174 = vector.broadcast %add3A_173 : i32 to vector<16xi32>
      %add3A_175 = arith.addi %shift_right_logical3A_172, %add3A_174 : vector<16xi32>
      %swap3A_176 = arith.constant 48 : index
      %swap3A_177 = tpu.vector_load %arg11[%swap3A_176] {strides = array<i32>} : memref<80xi32, #tpu.memory_space<vmem>>, vector<16xi32>,
      tpu.vector_store %arg11[%swap3A_176], %add3A_175 {strides = array<i32>} : memref<80xi32, #tpu.memory_space<vmem>>, vector<16xi32>,
      %iota3A_178 = tpu.iota {dimensions = array<i32: 0>} : vector<16xi32>
      %add3A_179 = arith.constant 64 : i32
      %add3A_180 = vector.broadcast %add3A_179 : i32 to vector<16xi32>
      %add3A_181 = arith.addi %iota3A_178, %add3A_180 : vector<16xi32>
      %get3A_182 = arith.constant 64 : index
      %get3A_183 = tpu.vector_load %arg10[%get3A_182] {strides = array<i32>} : memref<80xi32, #tpu.memory_space<vmem>>, vector<16xi32>,
      %broadcast_in_dim3A_184 = arith.constant 0 : i32
      %broadcast_in_dim3A_185 = vector.broadcast %broadcast_in_dim3A_184 : i32 to vector<16xi32>
      %gather3A_186 = tpu.vector_load_idx %arg15[%add3A_181, %broadcast_in_dim3A_185] : memref<80x16xf32, #tpu.memory_space<vmem>>[vector<16xi32>, vector<16xi32>], vector<16xf32>,
      %and3A_187 = arith.constant 127 : i32
      %and3A_188 = vector.broadcast %and3A_187 : i32 to vector<16xi32>
      %and3A_189 = arith.andi %get3A_183, %and3A_188 : vector<16xi32>
      tpu.vector_store_idx %arg14[%add3A_181, %and3A_189], %gather3A_186 : memref<80x128xf32, #tpu.memory_space<vmem>>[vector<16xi32>, vector<16xi32>], vector<16xf32>,
      %shift_right_logical3A_190 = arith.constant 7 : i32
      %shift_right_logical3A_191 = vector.broadcast %shift_right_logical3A_190 : i32 to vector<16xi32>
      %shift_right_logical3A_192 = arith.shrui %get3A_183, %shift_right_logical3A_191 : vector<16xi32>
      %add3A_193 = arith.constant 10240 : i32
      %add3A_194 = vector.broadcast %add3A_193 : i32 to vector<16xi32>
      %add3A_195 = arith.addi %shift_right_logical3A_192, %add3A_194 : vector<16xi32>
      %swap3A_196 = arith.constant 64 : index
      %swap3A_197 = tpu.vector_load %arg11[%swap3A_196] {strides = array<i32>} : memref<80xi32, #tpu.memory_space<vmem>>, vector<16xi32>,
      tpu.vector_store %arg11[%swap3A_196], %add3A_195 {strides = array<i32>} : memref<80xi32, #tpu.memory_space<vmem>>, vector<16xi32>,
      "tpu.region"() ({
        %run_scoped3A = tpu.sem_alloc : memref<!tpu.dma_semaphore, #tpu.memory_space<semaphore_mem>>
        %dma_start3A_254 = arith.constant 0 : i32
        %dma_start3A_255 = arith.constant 0 : i32
        %dma_start3A_256 = tpu.memref_slice %arg18[%dma_start3A_254, %dma_start3A_255] : memref<10320x128xf32, #tpu.memory_space<vmem_shared>> -> memref<10320x128xf32, #tpu.memory_space<vmem_shared>>
        tpu.enqueue_indirect_dma source(%arg12 : memref<80x128xf32, #tpu.memory_space<vmem>>) target(%dma_start3A_256 : memref<10320x128xf32, #tpu.memory_space<vmem_shared>>) offsets(%arg10 : memref<80xi32, #tpu.memory_space<vmem>>) semaphore(%run_scoped3A : memref<!tpu.dma_semaphore, #tpu.memory_space<semaphore_mem>>) {add = true}
        %dma_wait3A_257 = arith.constant 0 : i32
        %dma_wait3A_258 = arith.constant 0 : i32
        %dma_wait3A_259 = tpu.memref_slice %arg18[%dma_wait3A_257, %dma_wait3A_258] : memref<10320x128xf32, #tpu.memory_space<vmem_shared>> -> memref<10320x128xf32, #tpu.memory_space<vmem_shared>>
        tpu.wait_indirect_dma semaphore(%run_scoped3A : memref<!tpu.dma_semaphore, #tpu.memory_space<semaphore_mem>>) src(%arg12 : memref<80x128xf32, #tpu.memory_space<vmem>>) dst(%dma_wait3A_259 : memref<10320x128xf32, #tpu.memory_space<vmem_shared>>)
        tpu.yield
      }) : () -> ()
      "tpu.region"() ({
        %run_scoped3A = tpu.sem_alloc : memref<!tpu.dma_semaphore, #tpu.memory_space<semaphore_mem>>
        %dma_start3A_254 = arith.constant 0 : i32
        %dma_start3A_255 = arith.constant 0 : i32
        %dma_start3A_256 = tpu.memref_slice %arg18[%dma_start3A_254, %dma_start3A_255] : memref<10320x128xf32, #tpu.memory_space<vmem_shared>> -> memref<10320x128xf32, #tpu.memory_space<vmem_shared>>
        tpu.enqueue_indirect_dma source(%arg14 : memref<80x128xf32, #tpu.memory_space<vmem>>) target(%dma_start3A_256 : memref<10320x128xf32, #tpu.memory_space<vmem_shared>>) offsets(%arg11 : memref<80xi32, #tpu.memory_space<vmem>>) semaphore(%run_scoped3A : memref<!tpu.dma_semaphore, #tpu.memory_space<semaphore_mem>>) {add = true}
        %dma_wait3A_257 = arith.constant 0 : i32
        %dma_wait3A_258 = arith.constant 0 : i32
        %dma_wait3A_259 = tpu.memref_slice %arg18[%dma_wait3A_257, %dma_wait3A_258] : memref<10320x128xf32, #tpu.memory_space<vmem_shared>> -> memref<10320x128xf32, #tpu.memory_space<vmem_shared>>
        tpu.wait_indirect_dma semaphore(%run_scoped3A : memref<!tpu.dma_semaphore, #tpu.memory_space<semaphore_mem>>) src(%arg14 : memref<80x128xf32, #tpu.memory_space<vmem>>) dst(%dma_wait3A_259 : memref<10320x128xf32, #tpu.memory_space<vmem_shared>>)
        tpu.yield
      }) : () -> ()
      %iota3A_198 = tpu.iota {dimensions = array<i32: 0>} : vector<16xi32>
      %add3A_199 = arith.constant 0 : i32
      %add3A_200 = vector.broadcast %add3A_199 : i32 to vector<16xi32>
      %add3A_201 = arith.addi %iota3A_198, %add3A_200 : vector<16xi32>
      %get3A_202 = arith.constant 0 : index
      %get3A_203 = tpu.vector_load %arg10[%get3A_202] {strides = array<i32>} : memref<80xi32, #tpu.memory_space<vmem>>, vector<16xi32>,
      %and3A_204 = arith.constant 127 : i32
      %and3A_205 = vector.broadcast %and3A_204 : i32 to vector<16xi32>
      %and3A_206 = arith.andi %get3A_203, %and3A_205 : vector<16xi32>
      %broadcast_in_dim3A_207 = arith.constant 0.000000e+00 : f32
      %broadcast_in_dim3A_208 = vector.broadcast %broadcast_in_dim3A_207 : f32 to vector<16xf32>
      tpu.vector_store_idx %arg14[%add3A_201, %and3A_206], %broadcast_in_dim3A_208 : memref<80x128xf32, #tpu.memory_space<vmem>>[vector<16xi32>, vector<16xi32>], vector<16xf32>,
      %iota3A_209 = tpu.iota {dimensions = array<i32: 0>} : vector<16xi32>
      %add3A_210 = arith.constant 16 : i32
      %add3A_211 = vector.broadcast %add3A_210 : i32 to vector<16xi32>
      %add3A_212 = arith.addi %iota3A_209, %add3A_211 : vector<16xi32>
      %get3A_213 = arith.constant 16 : index
      %get3A_214 = tpu.vector_load %arg10[%get3A_213] {strides = array<i32>} : memref<80xi32, #tpu.memory_space<vmem>>, vector<16xi32>,
      %and3A_215 = arith.constant 127 : i32
      %and3A_216 = vector.broadcast %and3A_215 : i32 to vector<16xi32>
      %and3A_217 = arith.andi %get3A_214, %and3A_216 : vector<16xi32>
      %broadcast_in_dim3A_218 = arith.constant 0.000000e+00 : f32
      %broadcast_in_dim3A_219 = vector.broadcast %broadcast_in_dim3A_218 : f32 to vector<16xf32>
      tpu.vector_store_idx %arg14[%add3A_212, %and3A_217], %broadcast_in_dim3A_219 : memref<80x128xf32, #tpu.memory_space<vmem>>[vector<16xi32>, vector<16xi32>], vector<16xf32>,
      %iota3A_220 = tpu.iota {dimensions = array<i32: 0>} : vector<16xi32>
      %add3A_221 = arith.constant 32 : i32
      %add3A_222 = vector.broadcast %add3A_221 : i32 to vector<16xi32>
      %add3A_223 = arith.addi %iota3A_220, %add3A_222 : vector<16xi32>
      %get3A_224 = arith.constant 32 : index
      %get3A_225 = tpu.vector_load %arg10[%get3A_224] {strides = array<i32>} : memref<80xi32, #tpu.memory_space<vmem>>, vector<16xi32>,
      %and3A_226 = arith.constant 127 : i32
      %and3A_227 = vector.broadcast %and3A_226 : i32 to vector<16xi32>
      %and3A_228 = arith.andi %get3A_225, %and3A_227 : vector<16xi32>
      %broadcast_in_dim3A_229 = arith.constant 0.000000e+00 : f32
      %broadcast_in_dim3A_230 = vector.broadcast %broadcast_in_dim3A_229 : f32 to vector<16xf32>
      tpu.vector_store_idx %arg14[%add3A_223, %and3A_228], %broadcast_in_dim3A_230 : memref<80x128xf32, #tpu.memory_space<vmem>>[vector<16xi32>, vector<16xi32>], vector<16xf32>,
      %iota3A_231 = tpu.iota {dimensions = array<i32: 0>} : vector<16xi32>
      %add3A_232 = arith.constant 48 : i32
      %add3A_233 = vector.broadcast %add3A_232 : i32 to vector<16xi32>
      %add3A_234 = arith.addi %iota3A_231, %add3A_233 : vector<16xi32>
      %get3A_235 = arith.constant 48 : index
      %get3A_236 = tpu.vector_load %arg10[%get3A_235] {strides = array<i32>} : memref<80xi32, #tpu.memory_space<vmem>>, vector<16xi32>,
      %and3A_237 = arith.constant 127 : i32
      %and3A_238 = vector.broadcast %and3A_237 : i32 to vector<16xi32>
      %and3A_239 = arith.andi %get3A_236, %and3A_238 : vector<16xi32>
      %broadcast_in_dim3A_240 = arith.constant 0.000000e+00 : f32
      %broadcast_in_dim3A_241 = vector.broadcast %broadcast_in_dim3A_240 : f32 to vector<16xf32>
      tpu.vector_store_idx %arg14[%add3A_234, %and3A_239], %broadcast_in_dim3A_241 : memref<80x128xf32, #tpu.memory_space<vmem>>[vector<16xi32>, vector<16xi32>], vector<16xf32>,
      %iota3A_242 = tpu.iota {dimensions = array<i32: 0>} : vector<16xi32>
      %add3A_243 = arith.constant 64 : i32
      %add3A_244 = vector.broadcast %add3A_243 : i32 to vector<16xi32>
      %add3A_245 = arith.addi %iota3A_242, %add3A_244 : vector<16xi32>
      %get3A_246 = arith.constant 64 : index
      %get3A_247 = tpu.vector_load %arg10[%get3A_246] {strides = array<i32>} : memref<80xi32, #tpu.memory_space<vmem>>, vector<16xi32>,
      %and3A_248 = arith.constant 127 : i32
      %and3A_249 = vector.broadcast %and3A_248 : i32 to vector<16xi32>
      %and3A_250 = arith.andi %get3A_247, %and3A_249 : vector<16xi32>
      %broadcast_in_dim3A_251 = arith.constant 0.000000e+00 : f32
      %broadcast_in_dim3A_252 = vector.broadcast %broadcast_in_dim3A_251 : f32 to vector<16xf32>
      tpu.vector_store_idx %arg14[%add3A_245, %and3A_250], %broadcast_in_dim3A_252 : memref<80x128xf32, #tpu.memory_space<vmem>>[vector<16xi32>, vector<16xi32>], vector<16xf32>,
      %scan3A_253 = arith.constant 0 : i32
      scf.yield %scan3A_253 : i32
    }
    %scan3A_31 = arith.constant 125 : i32
    %barrier3A_32 = arith.constant 0 : index
    tpu.barrier barrier_id(%barrier3A_32)
    %mul3A_33 = arith.constant 640 : i32
    %mul3A_34 = arith.muli %arg1, %mul3A_33 : i32
    %mul3A_35 = arith.constant 640 : i32
    %mul3A_36 = arith.muli %arg1, %mul3A_35 : i32
    "tpu.region"() ({
      %run_scoped3A = tpu.sem_alloc : memref<!tpu.dma_semaphore, #tpu.memory_space<semaphore_mem>>
      %dma_start3A = arith.constant 0 : i32
      %dma_start3A_42 = tpu.memref_slice %arg8[%arg0, %mul3A_36, %dma_start3A] : memref<2x10320x128xf32, #tpu.memory_space<hbm>> -> memref<1x640x128xf32, #tpu.memory_space<hbm>>
      %dma_start3A_43 = tpu.memref_squeeze %dma_start3A_42 : memref<1x640x128xf32, #tpu.memory_space<hbm>> -> memref<640x128xf32, #tpu.memory_space<hbm>>
      %dma_start3A_44 = arith.constant 0 : i32
      %dma_start3A_45 = tpu.memref_slice %arg18[%mul3A_34, %dma_start3A_44] : memref<10320x128xf32, #tpu.memory_space<vmem_shared>> -> memref<640x128xf32, #tpu.memory_space<vmem_shared>>
      tpu.enqueue_dma source(%dma_start3A_45 : memref<640x128xf32, #tpu.memory_space<vmem_shared>>) target(%dma_start3A_43 : memref<640x128xf32, #tpu.memory_space<hbm>>) target_semaphore(%run_scoped3A : memref<!tpu.dma_semaphore, #tpu.memory_space<semaphore_mem>>)
      %dma_wait3A = arith.constant 0 : i32
      %dma_wait3A_46 = tpu.memref_slice %arg8[%arg0, %mul3A_36, %dma_wait3A] : memref<2x10320x128xf32, #tpu.memory_space<hbm>> -> memref<1x640x128xf32, #tpu.memory_space<hbm>>
      %dma_wait3A_47 = tpu.memref_squeeze %dma_wait3A_46 : memref<1x640x128xf32, #tpu.memory_space<hbm>> -> memref<640x128xf32, #tpu.memory_space<hbm>>
      %dma_wait3A_48 = arith.constant 0 : i32
      %dma_wait3A_49 = tpu.memref_slice %arg18[%mul3A_34, %dma_wait3A_48] : memref<10320x128xf32, #tpu.memory_space<vmem_shared>> -> memref<640x128xf32, #tpu.memory_space<vmem_shared>>
      tpu.wait_dma2 semaphore(%run_scoped3A : memref<!tpu.dma_semaphore, #tpu.memory_space<semaphore_mem>>) src(%dma_wait3A_49 : memref<640x128xf32, #tpu.memory_space<vmem_shared>>) dst(%dma_wait3A_47 : memref<640x128xf32, #tpu.memory_space<hbm>>)
      tpu.yield
    }) : () -> ()
    %lt3A_37 = arith.constant 10 : i32
    %lt3A_38 = arith.cmpi slt, %arg1, %lt3A_37 : i32
    %convert_element_type3A_39 = arith.extui %lt3A_38 : i1 to i32
    %cond3A_40 = arith.constant 0 : i32
    %cond3A_41 = arith.cmpi ne, %convert_element_type3A_39, %cond3A_40 : i32
    scf.if %cond3A_41 {
      %mul3A_42 = arith.constant 8 : i32
      %mul3A_43 = arith.muli %arg1, %mul3A_42 : i32
      %add3A_44 = arith.constant 10240 : i32
      %add3A_45 = arith.addi %add3A_44, %mul3A_43 : i32
      %mul3A_46 = arith.constant 8 : i32
      %mul3A_47 = arith.muli %arg1, %mul3A_46 : i32
      %add3A_48 = arith.constant 10240 : i32
      %add3A_49 = arith.addi %add3A_48, %mul3A_47 : i32
      "tpu.region"() ({
        %run_scoped3A = tpu.sem_alloc : memref<!tpu.dma_semaphore, #tpu.memory_space<semaphore_mem>>
        %dma_start3A = arith.constant 0 : i32
        %dma_start3A_50 = tpu.memref_slice %arg8[%arg0, %add3A_49, %dma_start3A] : memref<2x10320x128xf32, #tpu.memory_space<hbm>> -> memref<1x8x128xf32, #tpu.memory_space<hbm>>
        %dma_start3A_51 = tpu.memref_squeeze %dma_start3A_50 : memref<1x8x128xf32, #tpu.memory_space<hbm>> -> memref<8x128xf32, #tpu.memory_space<hbm>>
        %dma_start3A_52 = arith.constant 0 : i32
        %dma_start3A_53 = tpu.memref_slice %arg18[%add3A_45, %dma_start3A_52] : memref<10320x128xf32, #tpu.memory_space<vmem_shared>> -> memref<8x128xf32, #tpu.memory_space<vmem_shared>>
        tpu.enqueue_dma source(%dma_start3A_53 : memref<8x128xf32, #tpu.memory_space<vmem_shared>>) target(%dma_start3A_51 : memref<8x128xf32, #tpu.memory_space<hbm>>) target_semaphore(%run_scoped3A : memref<!tpu.dma_semaphore, #tpu.memory_space<semaphore_mem>>)
        %dma_wait3A = arith.constant 0 : i32
        %dma_wait3A_54 = tpu.memref_slice %arg8[%arg0, %add3A_49, %dma_wait3A] : memref<2x10320x128xf32, #tpu.memory_space<hbm>> -> memref<1x8x128xf32, #tpu.memory_space<hbm>>
        %dma_wait3A_55 = tpu.memref_squeeze %dma_wait3A_54 : memref<1x8x128xf32, #tpu.memory_space<hbm>> -> memref<8x128xf32, #tpu.memory_space<hbm>>
        %dma_wait3A_56 = arith.constant 0 : i32
        %dma_wait3A_57 = tpu.memref_slice %arg18[%add3A_45, %dma_wait3A_56] : memref<10320x128xf32, #tpu.memory_space<vmem_shared>> -> memref<8x128xf32, #tpu.memory_space<vmem_shared>>
        tpu.wait_dma2 semaphore(%run_scoped3A : memref<!tpu.dma_semaphore, #tpu.memory_space<semaphore_mem>>) src(%dma_wait3A_57 : memref<8x128xf32, #tpu.memory_space<vmem_shared>>) dst(%dma_wait3A_55 : memref<8x128xf32, #tpu.memory_space<hbm>>)
        tpu.yield
      }) : () -> ()
    } else {
    }
    return
  }
}

module attributes {stable_mosaic.version = 14 : i64} {
  func.func @_pre_body(%arg0: i32, %arg1: memref<1000x128xf32, #tpu.memory_space<vmem>>, %arg2: memref<128x128xf32, #tpu.memory_space<vmem>>, %arg3: memref<1x128xf32, #tpu.memory_space<vmem>>, %arg4: memref<128x128xf32, #tpu.memory_space<vmem>>, %arg5: memref<128x128xf32, #tpu.memory_space<vmem>>, %arg6: memref<1000x128xf32, #tpu.memory_space<vmem>>, %arg7: memref<1000x128xf32, #tpu.memory_space<vmem>>, %arg8: memref<1000x128xf32, #tpu.memory_space<vmem>>) attributes {dimension_semantics = [#tpu.dimension_semantics<arbitrary>], iteration_bounds = array<i64: 10>, scalar_prefetch = 0 : i64, scratch_operands = 0 : i64, tpu.core_type = #tpu.core_type<tc>, window_params = [{transform_indices = @transform_0, window_bounds = array<i64: 1000, 128>}, {pipeline_mode = #tpu.pipeline_mode<synchronous>, transform_indices = @transform_1, window_bounds = array<i64: 128, 128>}, {pipeline_mode = #tpu.pipeline_mode<synchronous>, transform_indices = @transform_2, window_bounds = array<i64: 1, 128>}, {pipeline_mode = #tpu.pipeline_mode<synchronous>, transform_indices = @transform_3, window_bounds = array<i64: 128, 128>}, {pipeline_mode = #tpu.pipeline_mode<synchronous>, transform_indices = @transform_4, window_bounds = array<i64: 128, 128>}, {transform_indices = @transform_5, window_bounds = array<i64: 1000, 128>}, {transform_indices = @transform_6, window_bounds = array<i64: 1000, 128>}, {transform_indices = @transform_7, window_bounds = array<i64: 1000, 128>}]} {
    %get3A = arith.constant 0 : index
    %get3A_0 = arith.constant 0 : index
    %get3A_1 = vector.load %arg1[%get3A, %get3A_0] : memref<1000x128xf32, #tpu.memory_space<vmem>>, vector<1000x128xf32>
    %get3A_2 = arith.constant 0 : index
    %get3A_3 = arith.constant 0 : index
    %get3A_4 = vector.load %arg2[%get3A_2, %get3A_3] : memref<128x128xf32, #tpu.memory_space<vmem>>, vector<128x128xf32>
    %dot_general3A = arith.constant dense<0.000000e+00> : vector<1000x128xf32>
    %dot_general3A_5 = tpu.matmul %get3A_1, %get3A_4, %dot_general3A {dimension_numbers = #tpu.dot_dimension_numbers<[1], [1], [0], [0], [0, 0, 1, 0], [], []>, transpose_lhs_hint = false} : vector<1000x128xf32>, vector<128x128xf32>, vector<1000x128xf32> -> vector<1000x128xf32>
    %get3A_6 = arith.constant 0 : index
    %get3A_7 = arith.constant 0 : index
    %get3A_8 = vector.load %arg3[%get3A_6, %get3A_7] : memref<1x128xf32, #tpu.memory_space<vmem>>, vector<1x128xf32>
    %add3A = vector.broadcast %get3A_8 : vector<1x128xf32> to vector<1000x128xf32>
    %add3A_9 = arith.addf %dot_general3A_5, %add3A : vector<1000x128xf32>
    %max3A = arith.constant 0.000000e+00 : f32
    %max3A_10 = vector.broadcast %max3A : f32 to vector<1000x128xf32>
    %max3A_11 = arith.maximumf %add3A_9, %max3A_10 : vector<1000x128xf32>
    %swap3A = arith.constant 0 : index
    %swap3A_12 = arith.constant 0 : index
    %swap3A_13 = vector.load %arg6[%swap3A, %swap3A_12] : memref<1000x128xf32, #tpu.memory_space<vmem>>, vector<1000x128xf32>
    tpu.vector_store %arg6[%swap3A, %swap3A_12], %max3A_11 {strides = array<i32>} : memref<1000x128xf32, #tpu.memory_space<vmem>>, vector<1000x128xf32>,
    %get3A_14 = arith.constant 0 : index
    %get3A_15 = arith.constant 0 : index
    %get3A_16 = vector.load %arg4[%get3A_14, %get3A_15] : memref<128x128xf32, #tpu.memory_space<vmem>>, vector<128x128xf32>
    %dot_general3A_17 = arith.constant dense<0.000000e+00> : vector<1000x128xf32>
    %dot_general3A_18 = tpu.matmul %max3A_11, %get3A_16, %dot_general3A_17 {dimension_numbers = #tpu.dot_dimension_numbers<[1], [1], [0], [0], [0, 0, 1, 0], [], []>, transpose_lhs_hint = false} : vector<1000x128xf32>, vector<128x128xf32>, vector<1000x128xf32> -> vector<1000x128xf32>
    %swap3A_19 = arith.constant 0 : index
    %swap3A_20 = arith.constant 0 : index
    %swap3A_21 = vector.load %arg7[%swap3A_19, %swap3A_20] : memref<1000x128xf32, #tpu.memory_space<vmem>>, vector<1000x128xf32>
    tpu.vector_store %arg7[%swap3A_19, %swap3A_20], %dot_general3A_18 {strides = array<i32>} : memref<1000x128xf32, #tpu.memory_space<vmem>>, vector<1000x128xf32>,
    %get3A_22 = arith.constant 0 : index
    %get3A_23 = arith.constant 0 : index
    %get3A_24 = vector.load %arg5[%get3A_22, %get3A_23] : memref<128x128xf32, #tpu.memory_space<vmem>>, vector<128x128xf32>
    %dot_general3A_25 = arith.constant dense<0.000000e+00> : vector<1000x128xf32>
    %dot_general3A_26 = tpu.matmul %max3A_11, %get3A_24, %dot_general3A_25 {dimension_numbers = #tpu.dot_dimension_numbers<[1], [1], [0], [0], [0, 0, 1, 0], [], []>, transpose_lhs_hint = false} : vector<1000x128xf32>, vector<128x128xf32>, vector<1000x128xf32> -> vector<1000x128xf32>
    %swap3A_27 = arith.constant 0 : index
    %swap3A_28 = arith.constant 0 : index
    %swap3A_29 = vector.load %arg8[%swap3A_27, %swap3A_28] : memref<1000x128xf32, #tpu.memory_space<vmem>>, vector<1000x128xf32>
    tpu.vector_store %arg8[%swap3A_27, %swap3A_28], %dot_general3A_26 {strides = array<i32>} : memref<1000x128xf32, #tpu.memory_space<vmem>>, vector<1000x128xf32>,
    return
  }
  func.func @transform_0(%arg0: i32) -> (i32, i32) {
    %c0_i32 = arith.constant 0 : i32
    %c0_i32_0 = arith.constant 0 : i32
    return %arg0, %c0_i32 : i32, i32
  }
  func.func @transform_1(%arg0: i32) -> (i32, i32) {
    %c0_i32 = arith.constant 0 : i32
    %c0_i32_0 = arith.constant 0 : i32
    %c0_i32_1 = arith.constant 0 : i32
    return %c0_i32, %c0_i32_0 : i32, i32
  }
  func.func @transform_2(%arg0: i32) -> (i32, i32) {
    %c0_i32 = arith.constant 0 : i32
    %c0_i32_0 = arith.constant 0 : i32
    %c0_i32_1 = arith.constant 0 : i32
    return %c0_i32, %c0_i32_0 : i32, i32
  }
  func.func @transform_3(%arg0: i32) -> (i32, i32) {
    %c0_i32 = arith.constant 0 : i32
    %c0_i32_0 = arith.constant 0 : i32
    %c0_i32_1 = arith.constant 0 : i32
    return %c0_i32, %c0_i32_0 : i32, i32
  }
  func.func @transform_4(%arg0: i32) -> (i32, i32) {
    %c0_i32 = arith.constant 0 : i32
    %c0_i32_0 = arith.constant 0 : i32
    %c0_i32_1 = arith.constant 0 : i32
    return %c0_i32, %c0_i32_0 : i32, i32
  }
  func.func @transform_5(%arg0: i32) -> (i32, i32) {
    %c0_i32 = arith.constant 0 : i32
    %c0_i32_0 = arith.constant 0 : i32
    return %arg0, %c0_i32 : i32, i32
  }
  func.func @transform_6(%arg0: i32) -> (i32, i32) {
    %c0_i32 = arith.constant 0 : i32
    %c0_i32_0 = arith.constant 0 : i32
    return %arg0, %c0_i32 : i32, i32
  }
  func.func @transform_7(%arg0: i32) -> (i32, i32) {
    %c0_i32 = arith.constant 0 : i32
    %c0_i32_0 = arith.constant 0 : i32
    return %arg0, %c0_i32 : i32, i32
  }
}

module attributes {stable_mosaic.version = 14 : i64} {
  func.func @_ep_body(%arg0: i32, %arg1: memref<8000x5xf32, #tpu.memory_space<vmem>>, %arg2: memref<128x5xf32, #tpu.memory_space<vmem>>, %arg3: memref<8000x128xf32, #tpu.memory_space<vmem>>) attributes {dimension_semantics = [#tpu.dimension_semantics<arbitrary>], iteration_bounds = array<i64: 40>, scalar_prefetch = 0 : i64, scratch_operands = 0 : i64, tpu.core_type = #tpu.core_type<tc>, window_params = [{transform_indices = @transform_0, window_bounds = array<i64: 8000, 5>}, {pipeline_mode = #tpu.pipeline_mode<synchronous>, transform_indices = @transform_1, window_bounds = array<i64: 128, 5>}, {transform_indices = @transform_2, window_bounds = array<i64: 8000, 128>}]} {
    %get3A = arith.constant 0 : index
    %get3A_0 = arith.constant 0 : index
    %get3A_1 = vector.load %arg1[%get3A, %get3A_0] : memref<8000x5xf32, #tpu.memory_space<vmem>>, vector<8000x5xf32>
    %get3A_2 = arith.constant 0 : index
    %get3A_3 = arith.constant 0 : index
    %get3A_4 = vector.load %arg2[%get3A_2, %get3A_3] : memref<128x5xf32, #tpu.memory_space<vmem>>, vector<128x5xf32>
    %dot_general3A = arith.constant dense<0.000000e+00> : vector<8000x128xf32>
    %dot_general3A_5 = tpu.matmul %get3A_1, %get3A_4, %dot_general3A {dimension_numbers = #tpu.dot_dimension_numbers<[1], [1], [0], [0], [0, 0, 1, 0], [], []>, transpose_lhs_hint = false} : vector<8000x5xf32>, vector<128x5xf32>, vector<8000x128xf32> -> vector<8000x128xf32>
    %swap3A = arith.constant 0 : index
    %swap3A_6 = arith.constant 0 : index
    %swap3A_7 = vector.load %arg3[%swap3A, %swap3A_6] : memref<8000x128xf32, #tpu.memory_space<vmem>>, vector<8000x128xf32>
    tpu.vector_store %arg3[%swap3A, %swap3A_6], %dot_general3A_5 {strides = array<i32>} : memref<8000x128xf32, #tpu.memory_space<vmem>>, vector<8000x128xf32>,
    return
  }
  func.func @transform_0(%arg0: i32) -> (i32, i32) {
    %c0_i32 = arith.constant 0 : i32
    %c0_i32_0 = arith.constant 0 : i32
    return %arg0, %c0_i32 : i32, i32
  }
  func.func @transform_1(%arg0: i32) -> (i32, i32) {
    %c0_i32 = arith.constant 0 : i32
    %c0_i32_0 = arith.constant 0 : i32
    %c0_i32_1 = arith.constant 0 : i32
    return %c0_i32, %c0_i32_0 : i32, i32
  }
  func.func @transform_2(%arg0: i32) -> (i32, i32) {
    %c0_i32 = arith.constant 0 : i32
    %c0_i32_0 = arith.constant 0 : i32
    return %arg0, %c0_i32 : i32, i32
  }
}

module attributes {stable_mosaic.version = 14 : i64} {
  func.func @_fin_body(%arg0: i32, %arg1: memref<1000x128xf32, #tpu.memory_space<vmem>>, %arg2: memref<1000x128xf32, #tpu.memory_space<vmem>>, %arg3: memref<1000x1xf32, #tpu.memory_space<vmem>>, %arg4: memref<1000x1xf32, #tpu.memory_space<vmem>>, %arg5: memref<1000x128xf32, #tpu.memory_space<vmem>>, %arg6: memref<1000x256xf32, #tpu.memory_space<vmem>>, %arg7: memref<1x128xf32, #tpu.memory_space<vmem>>, %arg8: memref<768x256xf32, #tpu.memory_space<vmem>>, %arg9: memref<768x256xf32, #tpu.memory_space<vmem>>, %arg10: memref<1x768xf32, #tpu.memory_space<vmem>>, %arg11: memref<1x768xf32, #tpu.memory_space<vmem>>, %arg12: memref<16x256xf32, #tpu.memory_space<vmem>>, %arg13: memref<1x16xf32, #tpu.memory_space<vmem>>, %arg14: memref<1000x16xf32, #tpu.memory_space<vmem>>, %arg15: memref<1000x256xf32, #tpu.memory_space<vmem>>) attributes {dimension_semantics = [#tpu.dimension_semantics<arbitrary>], iteration_bounds = array<i64: 10>, scalar_prefetch = 0 : i64, scratch_operands = 0 : i64, tpu.core_type = #tpu.core_type<tc>, window_params = [{transform_indices = @transform_0, window_bounds = array<i64: 1000, 128>}, {transform_indices = @transform_1, window_bounds = array<i64: 1000, 128>}, {transform_indices = @transform_2, window_bounds = array<i64: 1000, 1>}, {transform_indices = @transform_3, window_bounds = array<i64: 1000, 1>}, {transform_indices = @transform_4, window_bounds = array<i64: 1000, 128>}, {transform_indices = @transform_5, window_bounds = array<i64: 1000, 256>}, {pipeline_mode = #tpu.pipeline_mode<synchronous>, transform_indices = @transform_6, window_bounds = array<i64: 1, 128>}, {pipeline_mode = #tpu.pipeline_mode<synchronous>, transform_indices = @transform_7, window_bounds = array<i64: 768, 256>}, {pipeline_mode = #tpu.pipeline_mode<synchronous>, transform_indices = @transform_8, window_bounds = array<i64: 768, 256>}, {pipeline_mode = #tpu.pipeline_mode<synchronous>, transform_indices = @transform_9, window_bounds = array<i64: 1, 768>}, {pipeline_mode = #tpu.pipeline_mode<synchronous>, transform_indices = @transform_10, window_bounds = array<i64: 1, 768>}, {pipeline_mode = #tpu.pipeline_mode<synchronous>, transform_indices = @transform_11, window_bounds = array<i64: 16, 256>}, {pipeline_mode = #tpu.pipeline_mode<synchronous>, transform_indices = @transform_12, window_bounds = array<i64: 1, 16>}, {transform_indices = @transform_13, window_bounds = array<i64: 1000, 16>}, {transform_indices = @transform_14, window_bounds = array<i64: 1000, 256>}]} {
    %get3A = arith.constant 0 : index
    %get3A_0 = arith.constant 0 : index
    %get3A_1 = vector.load %arg1[%get3A, %get3A_0] : memref<1000x128xf32, #tpu.memory_space<vmem>>, vector<1000x128xf32>
    %get3A_2 = arith.constant 0 : index
    %get3A_3 = arith.constant 0 : index
    %get3A_4 = vector.load %arg2[%get3A_2, %get3A_3] : memref<1000x128xf32, #tpu.memory_space<vmem>>, vector<1000x128xf32>
    %add3A = arith.addf %get3A_1, %get3A_4 : vector<1000x128xf32>
    %get3A_5 = arith.constant 0 : index
    %get3A_6 = arith.constant 0 : index
    %get3A_7 = vector.load %arg3[%get3A_5, %get3A_6] : memref<1000x1xf32, #tpu.memory_space<vmem>>, vector<1000x1xf32>
    %get3A_8 = arith.constant 0 : index
    %get3A_9 = arith.constant 0 : index
    %get3A_10 = vector.load %arg4[%get3A_8, %get3A_9] : memref<1000x1xf32, #tpu.memory_space<vmem>>, vector<1000x1xf32>
    %add3A_11 = arith.addf %get3A_7, %get3A_10 : vector<1000x1xf32>
    %add3A_12 = arith.constant 1.000000e-16 : f32
    %add3A_13 = vector.broadcast %add3A_12 : f32 to vector<1000x1xf32>
    %add3A_14 = arith.addf %add3A_11, %add3A_13 : vector<1000x1xf32>
    %div3A = vector.broadcast %add3A_14 : vector<1000x1xf32> to vector<1000x128xf32>
    %div3A_15 = arith.divf %add3A, %div3A : vector<1000x128xf32>
    %get3A_16 = arith.constant 0 : index
    %get3A_17 = arith.constant 0 : index
    %get3A_18 = vector.load %arg7[%get3A_16, %get3A_17] : memref<1x128xf32, #tpu.memory_space<vmem>>, vector<1x128xf32>
    %add3A_19 = vector.broadcast %get3A_18 : vector<1x128xf32> to vector<1000x128xf32>
    %add3A_20 = arith.addf %div3A_15, %add3A_19 : vector<1000x128xf32>
    %max3A = arith.constant 0.000000e+00 : f32
    %max3A_21 = vector.broadcast %max3A : f32 to vector<1000x128xf32>
    %max3A_22 = arith.maximumf %add3A_20, %max3A_21 : vector<1000x128xf32>
    %get3A_23 = arith.constant 0 : index
    %get3A_24 = arith.constant 0 : index
    %get3A_25 = vector.load %arg5[%get3A_23, %get3A_24] : memref<1000x128xf32, #tpu.memory_space<vmem>>, vector<1000x128xf32>
    %concatenate3A = tpu.concatenate %max3A_22, %get3A_25 in 1 : vector<1000x128xf32>, vector<1000x128xf32> -> vector<1000x256xf32>
    %get3A_26 = arith.constant 0 : index
    %get3A_27 = arith.constant 0 : index
    %get3A_28 = vector.load %arg6[%get3A_26, %get3A_27] : memref<1000x256xf32, #tpu.memory_space<vmem>>, vector<1000x256xf32>
    %get3A_29 = arith.constant 0 : index
    %get3A_30 = arith.constant 0 : index
    %get3A_31 = vector.load %arg8[%get3A_29, %get3A_30] : memref<768x256xf32, #tpu.memory_space<vmem>>, vector<768x256xf32>
    %dot_general3A = arith.constant dense<0.000000e+00> : vector<1000x768xf32>
    %dot_general3A_32 = tpu.matmul %concatenate3A, %get3A_31, %dot_general3A {dimension_numbers = #tpu.dot_dimension_numbers<[1], [1], [0], [0], [0, 0, 1, 0], [], []>, transpose_lhs_hint = false} : vector<1000x256xf32>, vector<768x256xf32>, vector<1000x768xf32> -> vector<1000x768xf32>
    %get3A_33 = arith.constant 0 : index
    %get3A_34 = arith.constant 0 : index
    %get3A_35 = vector.load %arg10[%get3A_33, %get3A_34] : memref<1x768xf32, #tpu.memory_space<vmem>>, vector<1x768xf32>
    %add3A_36 = vector.broadcast %get3A_35 : vector<1x768xf32> to vector<1000x768xf32>
    %add3A_37 = arith.addf %dot_general3A_32, %add3A_36 : vector<1000x768xf32>
    %get3A_38 = arith.constant 0 : index
    %get3A_39 = arith.constant 0 : index
    %get3A_40 = vector.load %arg9[%get3A_38, %get3A_39] : memref<768x256xf32, #tpu.memory_space<vmem>>, vector<768x256xf32>
    %dot_general3A_41 = arith.constant dense<0.000000e+00> : vector<1000x768xf32>
    %dot_general3A_42 = tpu.matmul %get3A_28, %get3A_40, %dot_general3A_41 {dimension_numbers = #tpu.dot_dimension_numbers<[1], [1], [0], [0], [0, 0, 1, 0], [], []>, transpose_lhs_hint = false} : vector<1000x256xf32>, vector<768x256xf32>, vector<1000x768xf32> -> vector<1000x768xf32>
    %get3A_43 = arith.constant 0 : index
    %get3A_44 = arith.constant 0 : index
    %get3A_45 = vector.load %arg11[%get3A_43, %get3A_44] : memref<1x768xf32, #tpu.memory_space<vmem>>, vector<1x768xf32>
    %add3A_46 = vector.broadcast %get3A_45 : vector<1x768xf32> to vector<1000x768xf32>
    %add3A_47 = arith.addf %dot_general3A_42, %add3A_46 : vector<1000x768xf32>
    %slice3A = vector.extract_strided_slice %add3A_37 {offsets = [0, 0], sizes = [1000, 256], strides = [1, 1]} : vector<1000x768xf32> to vector<1000x256xf32>
    %slice3A_48 = vector.extract_strided_slice %add3A_47 {offsets = [0, 0], sizes = [1000, 256], strides = [1, 1]} : vector<1000x768xf32> to vector<1000x256xf32>
    %add3A_49 = arith.addf %slice3A, %slice3A_48 : vector<1000x256xf32>
    %logistic3A = arith.negf %add3A_49 : vector<1000x256xf32>
    %logistic3A_50 = math.exp %logistic3A : vector<1000x256xf32>
    %logistic3A_51 = arith.constant 1.000000e+00 : f32
    %logistic3A_52 = vector.broadcast %logistic3A_51 : f32 to vector<1000x256xf32>
    %logistic3A_53 = arith.addf %logistic3A_52, %logistic3A_50 : vector<1000x256xf32>
    %logistic3A_54 = arith.divf %logistic3A_52, %logistic3A_53 : vector<1000x256xf32>
    %slice3A_55 = vector.extract_strided_slice %add3A_37 {offsets = [0, 256], sizes = [1000, 256], strides = [1, 1]} : vector<1000x768xf32> to vector<1000x256xf32>
    %slice3A_56 = vector.extract_strided_slice %add3A_47 {offsets = [0, 256], sizes = [1000, 256], strides = [1, 1]} : vector<1000x768xf32> to vector<1000x256xf32>
    %add3A_57 = arith.addf %slice3A_55, %slice3A_56 : vector<1000x256xf32>
    %logistic3A_58 = arith.negf %add3A_57 : vector<1000x256xf32>
    %logistic3A_59 = math.exp %logistic3A_58 : vector<1000x256xf32>
    %logistic3A_60 = arith.constant 1.000000e+00 : f32
    %logistic3A_61 = vector.broadcast %logistic3A_60 : f32 to vector<1000x256xf32>
    %logistic3A_62 = arith.addf %logistic3A_61, %logistic3A_59 : vector<1000x256xf32>
    %logistic3A_63 = arith.divf %logistic3A_61, %logistic3A_62 : vector<1000x256xf32>
    %slice3A_64 = vector.extract_strided_slice %add3A_37 {offsets = [0, 512], sizes = [1000, 256], strides = [1, 1]} : vector<1000x768xf32> to vector<1000x256xf32>
    %slice3A_65 = vector.extract_strided_slice %add3A_47 {offsets = [0, 512], sizes = [1000, 256], strides = [1, 1]} : vector<1000x768xf32> to vector<1000x256xf32>
    %mul3A = arith.mulf %logistic3A_54, %slice3A_65 : vector<1000x256xf32>
    %add3A_66 = arith.addf %slice3A_64, %mul3A : vector<1000x256xf32>
    %tanh3A = math.tanh %add3A_66 : vector<1000x256xf32>
    %sub3A = arith.constant 1.000000e+00 : f32
    %sub3A_67 = vector.broadcast %sub3A : f32 to vector<1000x256xf32>
    %sub3A_68 = arith.subf %sub3A_67, %logistic3A_63 : vector<1000x256xf32>
    %mul3A_69 = arith.mulf %sub3A_68, %tanh3A : vector<1000x256xf32>
    %mul3A_70 = arith.mulf %logistic3A_63, %get3A_28 : vector<1000x256xf32>
    %add3A_71 = arith.addf %mul3A_69, %mul3A_70 : vector<1000x256xf32>
    %swap3A = arith.constant 0 : index
    %swap3A_72 = arith.constant 0 : index
    %swap3A_73 = vector.load %arg15[%swap3A, %swap3A_72] : memref<1000x256xf32, #tpu.memory_space<vmem>>, vector<1000x256xf32>
    tpu.vector_store %arg15[%swap3A, %swap3A_72], %add3A_71 {strides = array<i32>} : memref<1000x256xf32, #tpu.memory_space<vmem>>, vector<1000x256xf32>,
    %get3A_74 = arith.constant 0 : index
    %get3A_75 = arith.constant 0 : index
    %get3A_76 = vector.load %arg12[%get3A_74, %get3A_75] : memref<16x256xf32, #tpu.memory_space<vmem>>, vector<16x256xf32>
    %dot_general3A_77 = arith.constant dense<0.000000e+00> : vector<1000x16xf32>
    %dot_general3A_78 = tpu.matmul %add3A_71, %get3A_76, %dot_general3A_77 {dimension_numbers = #tpu.dot_dimension_numbers<[1], [1], [0], [0], [0, 0, 1, 0], [], []>, transpose_lhs_hint = false} : vector<1000x256xf32>, vector<16x256xf32>, vector<1000x16xf32> -> vector<1000x16xf32>
    %get3A_79 = arith.constant 0 : index
    %get3A_80 = arith.constant 0 : index
    %get3A_81 = vector.load %arg13[%get3A_79, %get3A_80] : memref<1x16xf32, #tpu.memory_space<vmem>>, vector<1x16xf32>
    %add3A_82 = vector.broadcast %get3A_81 : vector<1x16xf32> to vector<1000x16xf32>
    %add3A_83 = arith.addf %dot_general3A_78, %add3A_82 : vector<1000x16xf32>
    %swap3A_84 = arith.constant 0 : index
    %swap3A_85 = arith.constant 0 : index
    %swap3A_86 = vector.load %arg14[%swap3A_84, %swap3A_85] : memref<1000x16xf32, #tpu.memory_space<vmem>>, vector<1000x16xf32>
    tpu.vector_store %arg14[%swap3A_84, %swap3A_85], %add3A_83 {strides = array<i32>} : memref<1000x16xf32, #tpu.memory_space<vmem>>, vector<1000x16xf32>,
    return
  }
  func.func @transform_0(%arg0: i32) -> (i32, i32) {
    %c0_i32 = arith.constant 0 : i32
    %c0_i32_0 = arith.constant 0 : i32
    return %arg0, %c0_i32 : i32, i32
  }
  func.func @transform_1(%arg0: i32) -> (i32, i32) {
    %c0_i32 = arith.constant 0 : i32
    %c0_i32_0 = arith.constant 0 : i32
    return %arg0, %c0_i32 : i32, i32
  }
  func.func @transform_2(%arg0: i32) -> (i32, i32) {
    %c0_i32 = arith.constant 0 : i32
    %c0_i32_0 = arith.constant 0 : i32
    return %arg0, %c0_i32 : i32, i32
  }
  func.func @transform_3(%arg0: i32) -> (i32, i32) {
    %c0_i32 = arith.constant 0 : i32
    %c0_i32_0 = arith.constant 0 : i32
    return %arg0, %c0_i32 : i32, i32
  }
  func.func @transform_4(%arg0: i32) -> (i32, i32) {
    %c0_i32 = arith.constant 0 : i32
    %c0_i32_0 = arith.constant 0 : i32
    return %arg0, %c0_i32 : i32, i32
  }
  func.func @transform_5(%arg0: i32) -> (i32, i32) {
    %c0_i32 = arith.constant 0 : i32
    %c0_i32_0 = arith.constant 0 : i32
    return %arg0, %c0_i32 : i32, i32
  }
  func.func @transform_6(%arg0: i32) -> (i32, i32) {
    %c0_i32 = arith.constant 0 : i32
    %c0_i32_0 = arith.constant 0 : i32
    %c0_i32_1 = arith.constant 0 : i32
    return %c0_i32, %c0_i32_0 : i32, i32
  }
  func.func @transform_7(%arg0: i32) -> (i32, i32) {
    %c0_i32 = arith.constant 0 : i32
    %c0_i32_0 = arith.constant 0 : i32
    %c0_i32_1 = arith.constant 0 : i32
    return %c0_i32, %c0_i32_0 : i32, i32
  }
  func.func @transform_8(%arg0: i32) -> (i32, i32) {
    %c0_i32 = arith.constant 0 : i32
    %c0_i32_0 = arith.constant 0 : i32
    %c0_i32_1 = arith.constant 0 : i32
    return %c0_i32, %c0_i32_0 : i32, i32
  }
  func.func @transform_9(%arg0: i32) -> (i32, i32) {
    %c0_i32 = arith.constant 0 : i32
    %c0_i32_0 = arith.constant 0 : i32
    %c0_i32_1 = arith.constant 0 : i32
    return %c0_i32, %c0_i32_0 : i32, i32
  }
  func.func @transform_10(%arg0: i32) -> (i32, i32) {
    %c0_i32 = arith.constant 0 : i32
    %c0_i32_0 = arith.constant 0 : i32
    %c0_i32_1 = arith.constant 0 : i32
    return %c0_i32, %c0_i32_0 : i32, i32
  }
  func.func @transform_11(%arg0: i32) -> (i32, i32) {
    %c0_i32 = arith.constant 0 : i32
    %c0_i32_0 = arith.constant 0 : i32
    %c0_i32_1 = arith.constant 0 : i32
    return %c0_i32, %c0_i32_0 : i32, i32
  }
  func.func @transform_12(%arg0: i32) -> (i32, i32) {
    %c0_i32 = arith.constant 0 : i32
    %c0_i32_0 = arith.constant 0 : i32
    %c0_i32_1 = arith.constant 0 : i32
    return %c0_i32, %c0_i32_0 : i32, i32
  }
  func.func @transform_13(%arg0: i32) -> (i32, i32) {
    %c0_i32 = arith.constant 0 : i32
    %c0_i32_0 = arith.constant 0 : i32
    return %arg0, %c0_i32 : i32, i32
  }
  func.func @transform_14(%arg0: i32) -> (i32, i32) {
    %c0_i32 = arith.constant 0 : i32
    %c0_i32_0 = arith.constant 0 : i32
    return %arg0, %c0_i32 : i32, i32
  }
}

</mosaic_0001>

<sc_bundles>
// kernel: kernel.6.cloned.1.call-start
scs
__scs_entry_jumppad:
0x0: {  	(pc) =	sbr.rel $0x88, $3  }
0x1: {  	(tag) =	ssettag $0x0;
	lr =	simm.s32 $0x1  }
0x2: {  	[smem:$0x3F90] =	sst lr;
	_ =	strace $0xD0000000  }
0x3: {  	_ = 	snop  }
0x4: {  	_ = 	snop  }
0x5: {  	_ = 	snop  }
0x6: {  	_ = 	snop  }
0x7: {  	_ = 	snop  }
__scs_overlays_trampoline_lowered:
0x8: {  	[smem:$0x3F9F] =	sst s0  }
0x9: {  	[smem:$0x3FA0] =	sst s1  }
0xa: {  	[smem:$0x3FA1] =	sst s2  }
0xb: {  	[smem:$0x3FA2] =	sst s3  }
0xc: {  	[smem:$0x3FA3] =	sst s4  }
0xd: {  	[smem:$0x3FA4] =	sst s5  }
0xe: {  	[smem:$0x3FA5] =	sst s6  }
0xf: {  	[smem:$0x3FA6] =	sst s7  }
0x10: {  	[smem:$0x3FA7] =	sst s8  }
0x11: {  	[smem:$0x3FA8] =	sst s9;
	s0 =	simm.s32 @!p0 $0x0  }
0x12: {  	s1 =	sld [smem:$0x3F8E];
	s0 =	simm.s32 @p0 $0x1  }
0x13: {  	[smem:$0x3FA9] =	sst s0;
	s0 =	simm.s32 @!p1 $0x0  }
0x14: {  	s2 =	sld [smem:$0x3F8D];
	s0 =	simm.s32 @p1 $0x1  }
0x15: {  	[smem:$0x3FAA] =	sst s0;
	s0 =	simm.s32 @!p2 $0x0  }
0x16: {  	s3 =	sld [smem:$0x3FDB];
	s0 =	simm.s32 @p2 $0x1  }
0x17: {  	s4 =	simm.s32 $0x1BF5;
	[smem:$0x3FAC] =	sst s0  }
0x18: {  	s0 =	sld [smem:$0x3F8F];
	_ =	swait.ge [sflag:s4], $0x0  }
0x19: {  	s7 =	sld [smem:$0x3F90]  }
0x1a: {  	s8 =	sadd.s32 $0xFFFFE003, lr  }
0x1b: {  	s9 =	sadd.s32 $0xFFFFFEF7, lr;
	s5 =	simm.s32 $0xFFFFFFFF;
	p2 =	slt.u32 s8, $0xFFFFF086  }
0x1c: {  	p1 =	slt.u32 s9, $0xF7A;
	s5 =	simm.s32 @!p2 $0x0  }
0x1d: {  	s5 =	simm.s32 @p1 $0x1;
	p0 =	seq.s32 s7, s2  }
0x1e: {  	s7 =	smul.u32 @!p0 $0xF7A, s2;
	p2 =	seq.s32 @!p0 s5, $0x0  }
0x1f: {  	s9 =	smul.u32 $0xF7A, s1;
	s8 =	simm.s32 @!p0 $0x1BF5;
	p2 =	por !p2, p0  }
0x20: {  	[sflag:s8] =	ssyncset.s32 @!p0 $0xFFFFF086;
	s6 =	sadd.s32 @!p0 s3, s7;
	s7 =	simm.s32 @!p0 $0x108  }
0x21: {  	s3 =	sadd.s32 s3, s9;
	s6 =	sadd.s32 @!p0 $0x88, s6;
	s7 =	simm.s32 @p2 $0x1082  }
0x22: {  	[simem:s7], [sflag:s8] =	dma.local @!p0 [hbm:s6], $0xF7A  }
0x23: {  	s9 =	sor.u32 $0xD0000000, s2;
	s6 =	simm.s32 $0x108;
	_ =	swait.ge @!p0 [sflag:s8], $0x0  }
0x24: {  	s3 =	sadd.s32 $0x88, s3;
	s6 =	simm.s32 @!p1 $0x1082;
	[sflag:s4] =	ssyncset.s32 $0xFFFFF086  }
0x25: {  	[simem:s6], [sflag:s4] =	dma.local [hbm:s3], $0xF7A  }
0x26: {  	[smem:$0x3F90] =	sst s1;
	(tag) =	ssettag s2;
	_ =	strace s9  }
0x27: {  	s1 =	sld [smem:$0x3FA0]  }
0x28: {  	s2 =	sld [smem:$0x3FA1]  }
0x29: {  	s4 =	sld [smem:$0x3FA3]  }
0x2a: {  	p0 =	seq.s32 s5, $0x0;
	s5 =	sld [smem:$0x3FA4]  }
0x2b: {  	s6 =	sld [smem:$0x3FA5]  }
0x2c: {  	s7 =	sld [smem:$0x3FA6]  }
0x2d: {  	s3 =	simm.s32 $0x108;
	s8 =	sld [smem:$0x3FA7]  }
0x2e: {  	s3 =	simm.s32 @!p0 $0x1082;
	s9 =	sld [smem:$0x3FA8]  }
0x2f: {  	lr =	sadd.s32 s0, s3;
	s0 =	sld [smem:$0x3F9F]  }
0x30: {  	s3 =	sld [smem:$0x3FA2]  }
0x31: {  	[smem:$0x3FAB] =	sst s10  }
0x32: {  	s10 =	sld [smem:$0x3FA9];
	_ =	sdelay $0x3  }
0x33: {  	p0 =	seq.s32 s10, $0x1;
	s10 =	sld [smem:$0x3FAB];
	_ =	sdelay $0x3  }
0x34: {  	[smem:$0x3FAB] =	sst s10  }
0x35: {  	s10 =	sld [smem:$0x3FAA];
	_ =	sdelay $0x3  }
0x36: {  	p1 =	seq.s32 s10, $0x1;
	s10 =	sld [smem:$0x3FAB];
	_ =	sdelay $0x3  }
0x37: {  	[smem:$0x3FAB] =	sst s10  }
0x38: {  	s10 =	sld [smem:$0x3FAC]  }
0x39: {  	_ = 	snop;
	(pc) =	sbr.ind lr, $3  }
0x3a: {  	_ = 	snop  }
0x3b: {  	_ = 	snop  }
0x3c: {  	p2 =	seq.s32 s10, $0x1;
	s10 =	sld [smem:$0x3FAB]  }
0x3d: {  	_ =	shalt  }
0x3e: {  	_ =	shalt  }
0x3f: {  	_ =	shalt  }
0x40: {  	_ =	shalt  }
0x41: {  	_ =	shalt  }
0x42: {  	_ =	shalt  }
0x43: {  	_ =	shalt  }
0x44: {  	_ =	shalt  }
0x45: {  	_ =	shalt  }
0x46: {  	_ =	shalt  }
0x47: {  	_ =	shalt  }
0x48: {  	_ =	shalt  }
0x49: {  	_ =	shalt  }
0x4a: {  	_ =	shalt  }
0x4b: {  	_ =	shalt  }
0x4c: {  	_ =	shalt  }
0x4d: {  	_ =	shalt  }
0x4e: {  	_ =	shalt  }
0x4f: {  	_ =	shalt  }
0x50: {  	_ =	shalt  }
0x51: {  	_ =	shalt  }
0x52: {  	_ =	shalt  }
0x53: {  	_ =	shalt  }
0x54: {  	_ =	shalt  }
0x55: {  	_ =	shalt  }
0x56: {  	_ =	shalt  }
0x57: {  	_ =	shalt  }
0x58: {  	_ =	shalt  }
0x59: {  	_ =	shalt  }
0x5a: {  	_ =	shalt  }
0x5b: {  	_ =	shalt  }
0x5c: {  	_ =	shalt  }
0x5d: {  	_ =	shalt  }
0x5e: {  	_ =	shalt  }
0x5f: {  	_ =	shalt  }
0x60: {  	_ =	shalt  }
0x61: {  	_ =	shalt  }
0x62: {  	_ =	shalt  }
0x63: {  	_ =	shalt  }
0x64: {  	_ =	shalt  }
0x65: {  	_ =	shalt  }
0x66: {  	_ =	shalt  }
0x67: {  	_ =	shalt  }
0x68: {  	_ =	shalt  }
0x69: {  	_ =	shalt  }
0x6a: {  	_ =	shalt  }
0x6b: {  	_ =	shalt  }
0x6c: {  	_ =	shalt  }
0x6d: {  	_ =	shalt  }
0x6e: {  	_ =	shalt  }
0x6f: {  	_ =	shalt  }
0x70: {  	_ =	shalt  }
0x71: {  	_ =	shalt  }
0x72: {  	_ =	shalt  }
0x73: {  	_ =	shalt  }
0x74: {  	_ =	shalt  }
0x75: {  	_ =	shalt  }
0x76: {  	_ =	shalt  }
0x77: {  	_ =	shalt  }
0x78: {  	_ =	shalt  }
0x79: {  	_ =	shalt  }
0x7a: {  	_ =	shalt  }
0x7b: {  	_ =	shalt  }
0x7c: {  	_ =	shalt  }
0x7d: {  	_ =	shalt  }
0x7e: {  	_ =	shalt  }
0x7f: {  	_ =	shalt  }
0x80: {  	_ =	shalt  }
0x81: {  	_ =	shalt  }
0x82: {  	_ =	shalt  }
0x83: {  	_ =	shalt  }
0x84: {  	_ =	shalt  }
0x85: {  	_ =	shalt  }
0x86: {  	_ =	shalt  }
0x87: {  	_ =	shalt  }
.Lfunc_end0:
.L_simem_size_0:
called_computation_lowered:
.L_overlay_start_0:
0x88: {  	s2 =	sld [smem:$0x3FD9]  }
0x89: {  	s3 =	sld [smem:$0x3FFE];
	_ =	sdelay $0x1  }
0x8a: {  	s1 =	srdreg.scid  }
0x8b: {  	s0 =	sand.u32 $0x1, s1  }
0x8c: {  	s14 =	sshll.u32 s0, $0xA;
	s2 =	sadd.s32 s3, s2  }
0x8d: {  	s2 =	sadd.s32 s2, s14  }
0x8e: {  	[smem:$0x3FB7] =	sst s2  }
0x8f: {  	_ = 	snop  }
0x90: {  	s2 =	sld [smem:$0x3FD0];
	_ =	sdelay $0x2  }
0x91: {  	s4 =	simm.s32 $0xA;
	s5 =	simm.s32 $0x10;
	s15 =	sld [smem:$0x3FC0]  }
0x92: {  	[smem:s5], [sflag:s4] =	dma.local [hbm:s2], $0x1  }
0x93: {  	_ =	swait.eq [sflag:s4], $0x1  }
0x94: {  	[sflag:s4] =	ssyncset.done $0x0  }
0x95: {  	[sflag:s4] =	ssyncadd.s32 $0xFFFFFFFF  }
0x96: {  	s16 =	sld [smem:$0x11];
	(tm) =	ssettm $0x1  }
0x97: {  	s17 =	sld [smem:$0x3FFB];
	_ =	sdelay $0x3  }
0x98: {  	_ =	strace s17  }
0x99: {  	s4 =	sld [smem:$0x3FFC];
	_ =	sdelay $0x3  }
0x9a: {  	_ =	strace s4  }
0x9b: {  	s4 =	sld [smem:$0x3FFD];
	_ =	sdelay $0x3  }
0x9c: {  	_ =	strace s4  }
0x9d: {  	_ =	strace $0x8FFFFFFF  }
0x9e: {  	s18 =	sld [smem:$0x3FDB];
	_ =	sdelay $0x1  }
0x9f: {  	s19 =	simm.s32 $_scs_section_size  }
0xa0: {  	s6 =	simm.s32 $_size__tile_overlayer_lowered;
	s7 =	simm.s32 $_tile_overlayer_lowered  }
0xa1: {  	s22 =	simm.s32 $0x1BFF;
	s21 =	sshll.u32 s7, $0x1;
	s4 =	sadd.s32 s19, s18  }
0xa2: {  	s8 =	simm.s32 $0x0;
	s20 =	sshll.u32 s6, $0x1;
	s6 =	sadd.s32 s21, s4  }
0xa3: {  	[timem:s8], [sflag:s22] =	dma.local [hbm:s6], s20  }
0xa4: {  	_ =	swait.ge [sflag:s22], s20  }
0xa5: {  	s5 =	ssub.s32 $0x0, s20;
	[sflag:s22] =	ssyncset.done $0x0  }
0xa6: {  	[sflag:s22] =	ssyncadd.s32 s5;
	_ =	sdelay $0x1  }
0xa7: {  	s23 =	simm.s32 $0x1B8B  }
0xa8: {  	_ =	swait.ge [sflag:s23], $0x1  }
0xa9: {  	[sflag:s23] =	ssyncset.done $0x0  }
0xaa: {  	s25 =	simm.s32 $0x1B8E;
	s24 =	sld [smem:$0x3FFE];
	[sflag:s23] =	ssyncadd.s32 $0xFFFFFFFF  }
0xab: {  	s26 =	simm.s32 $execute0_lowered;
	[smem:$0x3FD2] =	sst s25  }
0xac: {  	s6 =	sshll.u32 s26, $0x1;
	_ =	strace $0x80000046;
	[dreg:$0x1] =	wrdreg $0xFFFFFFFF  }
0xad: {  	s28 =	simm.s32 $_size_execute0_lowered;
	s4 =	sadd.s32 s4, s6;
	[dreg:$0x0] =	wrdreg $0x0  }
0xae: {  	s6 =	sshll.u32 s28, $0x1;
	[dreg:$0x2] =	wrdreg s4  }
0xaf: {  	[dreg:$0x3] =	wrdreg s6  }
0xb0: {  	[dreg:$0x4] =	wrdreg $0xC0  }
0xb1: {  	_ =	task [dreg:s8], $0x5FFFF  }
0xb2: {  	[dreg:$0x1] =	wrdreg $0xFFFFFFFF  }
0xb3: {  	[dreg:$0x0] =	wrdreg $0x60  }
0xb4: {  	[dreg:$0x2] =	wrdreg s16  }
0xb5: {  	[dreg:$0x3] =	wrdreg s24  }
0xb6: {  	[dreg:$0x4] =	wrdreg s15  }
0xb7: {  	[dreg:$0x5] =	wrdreg $0xAA000  }
0xb8: {  	[dreg:$0x6] =	wrdreg $0x9  }
0xb9: {  	_ =	task.clear_ibuf [dreg:s8], $0x7FFFF;
	_ =	strace $0x90000046  }
0xba: {  	s29 =	simm.s32 $0x9;
	_ =	strace $0x80000048  }
0xbb: {  	_ =	swait.ge [sflag:s29], $0x1  }
0xbc: {  	[sflag:s29] =	ssyncadd.s32 $0xFFFFFFFF  }
0xbd: {  	_ =	strace $0x90000048  }
0xbe: {  	_ =	sfence  }
0xbf: {  	s30 =	sld [smem:$0x0];
	_ =	sdelay $0x2  }
0xc0: {  	s31 =	sshll.u32 s1, $0xD;
	s1 =	sshrl.u32 s1, $0x2  }
0xc1: {  	s3 =	sand.u32 $0x4000, s31;
	s1 =	sadd.s32 s1, s30  }
0xc2: {  	s0 =	sor.u32 s3, s0;
	s1 =	sshll.u32 s1, $0x11  }
0xc3: {  	s0 =	sor.u32 s1, s0  }
0xc4: {  	s0 =	sadd.s32 $0x8F2B, s0  }
0xc5: {  	[sflag:s0] =	ssyncadd.remote.s32 $0x1  }
0xc6: {  	_ =	sfence.sel $0xFFFF  }
0xc7: {  	[dreg:$0x0] =	wrdreg $0xFFFFFFFF;
	(pc) =	sbr.abs _section_cstart, $3  }
0xc8: {  	[dreg:$0x1] =	wrdreg $0xFFFFFFFF  }
0xc9: {  	_ =	task.clear_ibuf [dreg:s8], $0x2FFFF;
	_ =	strace $0x9FFFFFFF  }
0xca: {  	(tm) =	ssettm $0x7FFFFFFF  }
0xcb: {  	_ =	shalt  }
tec
execute0_lowered:
.L_overlay_start_1:
0x0: {  	(tag) =	ssettag $0x1  }
0x1: {  	s1 =	rddreg [dreg:$0x0]  }
0x2: {  	s0 =	rddreg [dreg:$0x1]  }
0x3: {  	s3 =	rddreg [dreg:$0x3];
	s4 =	simm.s32 $0x0;
	s2 =	srdreg.scid  }
0x4: {  	s16 =	stileid.u32;
	s17 =	simm.s32 $0x4;
	s18 =	simm.s32 $0xA180  }
0x5: {  	s19 =	simm.s32 $0x80;
	s20 =	simm.s32 $0x50;
	s21 =	simm.s32 $0x180  }
0x6: {  	s22 =	simm.s32 $0x2980;
	s23 =	simm.s32 $0x2;
	s28 =	simm.s32 $0x3  }
0x7: {  	s29 =	simm.s32 $0x7980;
	s30 =	simm.s32 $0x5180;
	s31 =	simm.s32 $0x0  }
0x8: {  	[smem:$0x7FF] =	sst s4;
	s5 =	sadd.s32 $0x2E00, s0;
	s7 =	sadd.s32 $0x4F8A00, s0  }
0x9: {  	s8 =	sadd.s32 $0x4EEC00, s0;
	s2 =	sand.u32 $0x1, s2;
	s9 =	sadd.s32 $0x4E4E00, s0  }
0xa: {  	s0 =	sadd.s32 $0x51200, s0;
	s11 =	smul.u32 $0x50000, s16;
	s12 =	sshll.u32 s16, $0xA  }
0xb: {  	s13 =	smul.u32 $0x14000, s16;
	p0 =	sgt.u32 s16, $0x9;
	_ =	strace $0x80000047  }
0xc: {  	s6 =	ssub.s32 $0x2, s2;
	s24 =	sshll.u32 s2, $0x4;
	s2 =	smul.u32 $0x142800, s2  }
0xd: {  	s15 =	sor.u32 $0x140000, s12;
	s25 =	sadd.s32 s12, s3;
	s10 =	sshrl.u32 s6, $0x1  }
0xe: {  	s11 =	sshrl.u32 s11, $0x2;
	s14 =	sor.u32 s16, s24;
	s24 =	simm.s32 $0x100  }
0xf: {  	v0 =	vlaneseq.u32;
	s6 =	ssub.s32 s6, s10;
	s10 =	sadd.s32 s11, s3;
	s26 =	sadd.s32 s13, s2  }
0x10: {  	v1 =	vmul.u32 $0x80, v0;
	s2 =	sadd.s32 s2, s15;
	s11 =	sadd.s32 $0x140000, s25;
	s12 =	smul.u32 $0x2710, s14  }
0x11: {  	[dreg:$0x5] =	wrdreg s11;
	s13 =	sshrl.u32 s26, $0x3;
	s2 =	sshrl.u32 s2, $0x3  }
0x12: {  	v2 =	vimm.f32 $0.0e+00;
	v3 =	vor.u32 $0x800, v1;
	s13 =	sadd.s32 s0, s13;
	s14 =	sadd.s32 s0, s2;
	s0 =	sadd.s32 s15, s3  }
0x13: {  	v4 =	vor.u32 $0x1000, v1;
	v5 =	vor.u32 $0x1800, v1;
	v6 =	vor.u32 $0x2000, v1;
	s26 =	simm.s32 $0x1;
	s15 =	smax.u32 s6, $0x1;
	s25 =	sshrl.u32 @!p0 s0, $0x3  }
.LBB2_1:
0x14: {  	s0 =	rddreg [dreg:$0x2];
	s2 =	simm.s32 $0xA980  }
0x15: {  	[tilespmem:s2], [sflag:$0x4] =	stream.linear.gather [hbm4b:s0+s4], $0x80, $0x38;
	[tilespmem:$0x1EC80] =	vst v63  }
0x16: {  	s16 =	sand.u32 $0x1E00, s4;
	s6 =	sand.u32 $0x70, s4;
	_ =	swait.ge [sflag:s17], $0x80  }
0x17: {  	s0 =	sshrl.u32 s16, $0x2;
	s2 =	simm.s32 $0x40;
	[sflag:s17] =	ssyncset.done $0x0  }
0x18: {  	s16 =	sor.u32 s6, s0;
	s6 =	simm.s32 $0x0;
	[sflag:s17] =	ssyncadd.s32 $0xFFFFFF80  }
.LBB2_2:
0x19: {  	p1 =	sne.s32 s2, $0x1FC0  }
0x1a: {  	[tilespmem:s16+$0xA180] =	vst v2;
	s6 =	sadd.s32 $0x10, s6;
	s0 =	smov.u32 s2;
	s2 =	sadd.s32 $0x40, s2  }
.Ltmp0:
0x1b: {  	(pc) =	sbr.rel @p1 .LBB2_2-.Ltmp0, $4  }
0x1c: {  	_ = 	snop  }
0x1d: {  	s0 =	sand.u32 $0x1E00, s0  }
0x1e: {  	s16 =	sand.u32 $0x70, s6;
	s0 =	sshrl.u32 s0, $0x2  }
0x1f: {  	s16 =	sor.u32 s16, s0;
	s0 =	simm.s32 $0x0  }
0x20: {  	s2 =	sand.u32 $0xFE00, s0  }
0x21: {  	s6 =	sand.u32 $0x70, s0;
	s11 =	sshrl.u32 s2, $0x2  }
0x22: {  	[tilespmem:s16+$0xA180] =	vst v2;
	s2 =	simm.s32 $0x40;
	s6 =	sor.u32 s6, s11  }
.LBB2_4:
0x23: {  	p1 =	sne.s32 s2, $0x9FC0  }
0x24: {  	[tilespmem:s6+$0x5180] =	vst v2;
	s0 =	sadd.s32 $0x10, s0;
	s6 =	smov.u32 s2;
	s2 =	sadd.s32 $0x40, s2  }
.Ltmp1:
0x25: {  	(pc) =	sbr.rel @p1 .LBB2_4-.Ltmp1, $4  }
0x26: {  	_ = 	snop  }
0x27: {  	s6 =	sand.u32 $0xFE00, s6  }
0x28: {  	s11 =	sand.u32 $0x70, s0;
	s6 =	sshrl.u32 s6, $0x2  }
0x29: {  	s6 =	sor.u32 s11, s6  }
0x2a: {  	[tilespmem:s6+$0x5180] =	vst v2;
	s0 =	sadd.s32 $0x0, s10  }
0x2b: {  	[spmem:s0] =	stream.linear.scatter [tilespmem:s18], [sflag:$0x4], $0x800, $0x38;
	[tilespmem:$0x1EC80] =	vst v63  }
0x2c: {  	s0 =	simm.s32 $0x2000;
	_ =	swait.ge [sflag:s17], $0x800  }
.LBB2_6:
0x2d: {  	s2 =	sshra.s32 s0, $0x2;
	[sflag:s17] =	ssyncset.done $0x0;
	p1 =	sne.s32 s0, $0x4E000  }
.Ltmp2:
0x2e: {  	s2 =	sadd.s32 s2, s10;
	[sflag:s17] =	ssyncadd.s32 $0xFFFFF800;
	(pc) =	sbr.rel @p1 .LBB2_6-.Ltmp2, $3  }
0x2f: {  	[spmem:s2] =	stream.linear.scatter [tilespmem:s18], [sflag:$0x4], $0x800, $0x38;
	[tilespmem:$0x1EC80] =	vst v63  }
0x30: {  	s0 =	sadd.s32 $0x2000, s0;
	_ =	sdelay $0x1  }
0x31: {  	_ =	swait.ge [sflag:s17], $0x800  }
0x32: {  	[sflag:s17] =	ssyncset.done $0x0  }
0x33: {  	s0 =	simm.s32 @!p0 $0xA180;
	s2 =	rddreg [dreg:$0x5];
	[sflag:s17] =	ssyncadd.s32 $0xFFFFF800  }
0x34: {  	[spmem:s2] =	stream.linear.scatter @!p0 [tilespmem:s0], [sflag:$0x4], $0x400, $0x38;
	[tilespmem:$0x1EC80] =	vst v63  }
0x35: {  	s0 =	simm.s32 @!p0 $0x4  }
0x36: {  	_ =	swait.ge @!p0 [sflag:s0], $0x400  }
0x37: {  	[sflag:s0] =	ssyncset.done @!p0 $0x0  }
0x38: {  	[sflag:s0] =	ssyncadd.s32 @!p0 $0xFFFFFC00  }
0x39: {  	s2 =	simm.s32 $0x0;
	s0 =	simm.s32 $0x0;
	[bflag:$0x0] =	sbarrier.arrive $0xFFFF  }
.LBB2_8:
0x3a: {  	s6 =	smul.u32 $0x50, s2;
	_ =	sdelay $0x1  }
0x3b: {  	s6 =	sadd.s32 s12, s6  }
0x3c: {  	s11 =	sshrl.u32 s6, $0x3  }
0x3d: {  	s16 =	sadd.s32 s8, s11  }
0x3e: {  	[tilespmem:s0], [sflag:$0x4] =	stream.linear.gather [hbm4b:s16+s0], $0x50, $0x38;
	[tilespmem:$0x1EC80] =	vst v63  }
0x3f: {  	_ =	swait.ge [sflag:s17], $0x50  }
0x40: {  	[sflag:s17] =	ssyncset.done $0x0  }
0x41: {  	s11 =	sadd.s32 s9, s11;
	[sflag:s17] =	ssyncadd.s32 $0xFFFFFFB0  }
0x42: {  	[tilespmem:s19], [sflag:$0x4] =	stream.linear.gather [hbm4b:s11+s0], $0x50, $0x38;
	[tilespmem:$0x1EC80] =	vst v63  }
0x43: {  	_ =	swait.ge [sflag:s17], $0x50  }
0x44: {  	[sflag:s17] =	ssyncset.done $0x0  }
0x45: {  	v7 =	vor.u32 s6, v0;
	s16 =	sadd.s32 $0x10, s6;
	[sflag:s17] =	ssyncadd.s32 $0xFFFFFFB0  }
0x46: {  	[tilespmem:$0x100] =	vst v7;
	v7 =	vor.u32 s16, v0;
	s16 =	sadd.s32 $0x20, s6  }
0x47: {  	[tilespmem:$0x110] =	vst v7;
	v7 =	vor.u32 s16, v0;
	s16 =	sadd.s32 $0x30, s6  }
0x48: {  	s6 =	sadd.s32 $0x40, s6;
	[tilespmem:$0x120] =	vst v7;
	v7 =	vor.u32 s16, v0  }
0x49: {  	[tilespmem:$0x130] =	vst v7;
	v7 =	vor.u32 s6, v0  }
0x4a: {  	[tilespmem:$0x140] =	vst v7  }
0x4b: {  	[tilespmem:s21], [sflag:$0x1] =	stream.indirect.gather [hbm4b:s1+s20], $0x80, s0, s20, $0xb8;
	[tilespmem:$0x1EC80] =	vst v63  }
0x4c: {  	_ = 	snop  }
0x4d: {  	[tilespmem:s22], [sflag:$0x2] =	stream.indirect.gather [hbm4b:s5+s20], $0x80, s19, s20, $0xb8;
	[tilespmem:$0x1EC80] =	vst v63  }
0x4e: {  	_ =	swait.ge [sflag:s23], $0x2800  }
0x4f: {  	[sflag:s23] =	ssyncset.done $0x0  }
0x50: {  	[sflag:s23] =	ssyncadd.s32 $0xFFFFD800  }
0x51: {  	[tilespmem:s22], [sflag:$0x3] =	stream.indirect.gather.add.f32 [hbm:s7], $0x80, s24, s20, $0xb8;
	[tilespmem:$0x1EC80] =	vst v63  }
0x52: {  	_ =	swait.ge [sflag:s26], $0x2800  }
0x53: {  	[sflag:s26] =	ssyncset.done $0x0  }
0x54: {  	[sflag:s26] =	ssyncadd.s32 $0xFFFFD800  }
0x55: {  	_ =	swait.ge [sflag:s28], $0x2800  }
0x56: {  	[sflag:s28] =	ssyncset.done $0x0  }
0x57: {  	s16 =	simm.s32 $0x0;
	[sflag:s28] =	ssyncadd.s32 $0xFFFFD800  }
0x58: {  	v11 =	vld [tilespmem:s16+$0x2990]  }
0x59: {  	v12 =	vld [tilespmem:s16+$0x2980]  }
0x5a: {  	v15 =	vld [tilespmem:s16+$0x29F0]  }
0x5b: {  	v16 =	vld [tilespmem:s16+$0x29E0]  }
0x5c: {  	v7 =	vld [tilespmem:s16+$0x180]  }
0x5d: {  	v17 =	vld [tilespmem:s16+$0x29D0]  }
0x5e: {  	v13 =	vld [tilespmem:s16+$0x29B0]  }
0x5f: {  	v10 =	vld [tilespmem:s16+$0x190]  }
0x60: {  	v8 =	vld [tilespmem:s16+$0x1B0]  }
0x61: {  	v14 =	vld [tilespmem:s16+$0x29A0]  }
0x62: {  	v9 =	vld [tilespmem:s16+$0x1A0]  }
0x63: {  	v18 =	vld [tilespmem:$0xA980];
	v12 =	vadd.f32 v12, v7  }
0x64: {  	v19 =	vld [tilespmem:$0xA990]  }
0x65: {  	v22 =	vld [tilespmem:s16+$0x29C0];
	v21 =	vadd.f32 v11, v10;
	v20 =	vmul.f32 $2.000000030e-01, v12  }
0x66: {  	v11 =	vld [tilespmem:s16+$0x1C0]  }
0x67: {  	v23 =	vld [tilespmem:$0xA9A0];
	v14 =	vadd.f32 v14, v9;
	v48 =	vmul.f32 $2.000000030e-01, v21;
	v12 =	vmax.f32 v12, v20  }
0x68: {  	v18 =	vmul.f32 v12, v18;
	v12 =	vld [tilespmem:s16+$0x1D0]  }
0x69: {  	v50 =	vld [tilespmem:$0xA9B0];
	v24 =	vadd.f32 v13, v8;
	v49 =	vmul.f32 $2.000000030e-01, v14;
	v13 =	vmax.f32 v21, v48  }
0x6a: {  	v19 =	vmul.f32 v13, v19;
	v13 =	vld [tilespmem:s16+$0x1E0];
	v18 =	vadd.f32 $0.0e+00, v18  }
0x6b: {  	v52 =	vld [tilespmem:$0xA9C0];
	v25 =	vmul.f32 $2.000000030e-01, v24;
	v14 =	vmax.f32 v14, v49;
	v51 =	vadd.f32 v22, v11  }
0x6c: {  	v53 =	vmul.f32 v14, v23;
	v14 =	vld [tilespmem:s16+$0x1F0];
	v18 =	vadd.f32 v19, v18  }
0x6d: {  	v56 =	vld [tilespmem:$0xA9D0];
	v54 =	vmax.f32 v24, v25;
	v55 =	vmul.f32 $2.000000030e-01, v51;
	v17 =	vadd.f32 v17, v12  }
0x6e: {  	v57 =	vmul.f32 v54, v50;
	v18 =	vadd.f32 v53, v18  }
0x6f: {  	v59 =	vld [tilespmem:$0xA9E0];
	v20 =	vmax.f32 v51, v55;
	v16 =	vadd.f32 v16, v13;
	v58 =	vmul.f32 $2.000000030e-01, v17  }
0x70: {  	v60 =	vmul.f32 v20, v52;
	v18 =	vadd.f32 v57, v18  }
0x71: {  	v62 =	vld [tilespmem:$0xA9F0];
	v15 =	vadd.f32 v15, v14;
	v61 =	vmul.f32 $2.000000030e-01, v16;
	v17 =	vmax.f32 v17, v58  }
0x72: {  	v18 =	vadd.f32 v60, v18;
	v17 =	vmul.f32 v17, v56  }
0x73: {  	v63 =	vmul.f32 $2.000000030e-01, v15;
	v16 =	vmax.f32 v16, v61  }
0x74: {  	v16 =	vmul.f32 v16, v59;
	v17 =	vadd.f32 v17, v18  }
0x75: {  	v15 =	vmax.f32 v15, v63  }
0x76: {  	v15 =	vmul.f32 v15, v62;
	v16 =	vadd.f32 v16, v17;
	_ =	sdelay $0x1  }
0x77: {  	v15 =	vadd.f32 v15, v16;
	_ =	sdelay $0x1  }
0x78: {  	(xrf2) =	vadd.scan.msk.f32 $0xffff, v15;
	_ =	sdelay $0x9  }
0x79: {  	v15, _, _ =	vpop (xrf2)  }
0x7a: {  	v15 =	vmul.f32 $1.442695020e+00, v15;
	_ =	sdelay $0x1  }
0x7b: {  	v15 =	vbroadcast v15, $0xF;
	_ =	sdelay $0x1  }
0x7c: {  	s6 =	simm.s32 $0x200;
	(erf) = vpow2.f32 v15  }
.LBB2_9:
0x7d: {  	_ =	sdelay $0x3  }
0x7e: {  	p1 =	sne.s32 s6, $0x9E00;
	s11 =	smov.u32 s6;
	s6 =	sadd.s32 $0x200, s6  }
0x7f: {  	_ = 	snop  }
0x80: {  	s11 =	sshra.s32 s11, $0x2  }
0x81: {  	v15 =	vld [tilespmem:s11+$0x2990]  }
0x82: {  	v16 =	vld [tilespmem:s11+$0x2980];
	v17 =	vpop (erf)  }
0x83: {  	v7 =	vmul.f32 v17, v7;
	v10 =	vmul.f32 v17, v10;
	[tilespmem:s16+$0x7980] =	vst v17  }
0x84: {  	v9 =	vmul.f32 v17, v9;
	v8 =	vmul.f32 v17, v8;
	v18 =	vld [tilespmem:s11+$0x29F0]  }
0x85: {  	v11 =	vmul.f32 v17, v11;
	v12 =	vmul.f32 v17, v12;
	v19 =	vld [tilespmem:s11+$0x29E0];
	[tilespmem:s16+$0x180] =	vst v7  }
0x86: {  	v13 =	vmul.f32 v17, v13;
	v7 =	vld [tilespmem:s11+$0x180];
	[tilespmem:s16+$0x190] =	vst v10;
	v10 =	vmul.f32 v17, v14  }
0x87: {  	v17 =	vld [tilespmem:s11+$0x29D0];
	[tilespmem:s16+$0x1C0] =	vst v11  }
0x88: {  	v11 =	vld [tilespmem:s11+$0x29B0];
	[tilespmem:s16+$0x1F0] =	vst v10  }
0x89: {  	v10 =	vld [tilespmem:s11+$0x190];
	[tilespmem:s16+$0x1B0] =	vst v8  }
0x8a: {  	v8 =	vld [tilespmem:s11+$0x1B0];
	[tilespmem:s16+$0x1E0] =	vst v13  }
0x8b: {  	v13 =	vadd.f32 v16, v7;
	v14 =	vld [tilespmem:s11+$0x29A0];
	[tilespmem:s16+$0x1A0] =	vst v9  }
0x8c: {  	v9 =	vld [tilespmem:s11+$0x1A0];
	[tilespmem:s16+$0x1D0] =	vst v12;
	s16 =	smov.u32 s11  }
0x8d: {  	v12 =	vmul.f32 $2.000000030e-01, v13;
	v16 =	vld [tilespmem:$0xA980]  }
0x8e: {  	v15 =	vadd.f32 v15, v10;
	v20 =	vld [tilespmem:$0xA990]  }
0x8f: {  	v12 =	vmax.f32 v13, v12;
	v13 =	vadd.f32 v11, v8;
	v21 =	vld [tilespmem:s16+$0x29C0]  }
0x90: {  	v22 =	vmul.f32 $2.000000030e-01, v15;
	v11 =	vld [tilespmem:s16+$0x1C0]  }
0x91: {  	v14 =	vadd.f32 v14, v9;
	v23 =	vld [tilespmem:$0xA9A0];
	v24 =	vmul.f32 $2.000000030e-01, v13  }
0x92: {  	v16 =	vmul.f32 v12, v16;
	v15 =	vmax.f32 v15, v22;
	v12 =	vld [tilespmem:s16+$0x1D0]  }
0x93: {  	v15 =	vmul.f32 v15, v20;
	v20 =	vmul.f32 $2.000000030e-01, v14;
	v22 =	vmax.f32 v13, v24;
	v24 =	vld [tilespmem:$0xA9B0]  }
0x94: {  	v16 =	vadd.f32 $0.0e+00, v16;
	v13 =	vld [tilespmem:s16+$0x1E0]  }
0x95: {  	v14 =	vmax.f32 v14, v20;
	v20 =	vadd.f32 v21, v11;
	v21 =	vld [tilespmem:$0xA9C0]  }
0x96: {  	v15 =	vadd.f32 v15, v16;
	v16 =	vmul.f32 v14, v23;
	v14 =	vld [tilespmem:s16+$0x1F0]  }
0x97: {  	v23 =	vmul.f32 $2.000000030e-01, v20;
	v17 =	vadd.f32 v17, v12;
	v25 =	vld [tilespmem:$0xA9D0]  }
0x98: {  	v15 =	vadd.f32 v16, v15;
	v16 =	vmul.f32 v22, v24  }
0x99: {  	v20 =	vmax.f32 v20, v23;
	v22 =	vmul.f32 $2.000000030e-01, v17;
	v19 =	vadd.f32 v19, v13;
	v23 =	vld [tilespmem:$0xA9E0]  }
0x9a: {  	v15 =	vadd.f32 v16, v15;
	v16 =	vmul.f32 v20, v21  }
0x9b: {  	v17 =	vmax.f32 v17, v22;
	v20 =	vmul.f32 $2.000000030e-01, v19;
	v18 =	vadd.f32 v18, v14;
	v21 =	vld [tilespmem:$0xA9F0]  }
0x9c: {  	v15 =	vadd.f32 v16, v15;
	v16 =	vmul.f32 v17, v25  }
0x9d: {  	v17 =	vmax.f32 v19, v20;
	v19 =	vmul.f32 $2.000000030e-01, v18  }
0x9e: {  	v15 =	vadd.f32 v16, v15;
	v16 =	vmul.f32 v17, v23  }
0x9f: {  	v17 =	vmax.f32 v18, v19  }
0xa0: {  	v15 =	vadd.f32 v16, v15;
	v16 =	vmul.f32 v17, v21;
	_ =	sdelay $0x1  }
0xa1: {  	v15 =	vadd.f32 v16, v15;
	_ =	sdelay $0x1  }
0xa2: {  	(xrf2) =	vadd.scan.msk.f32 $0xffff, v15;
	_ =	sdelay $0x9  }
0xa3: {  	v15, _, _ =	vpop (xrf2)  }
.Ltmp3:
0xa4: {  	v15 =	vmul.f32 $1.442695020e+00, v15;
	(pc) =	sbr.rel @p1 .LBB2_9-.Ltmp3, $3  }
0xa5: {  	_ = 	snop  }
0xa6: {  	v15 =	vbroadcast v15, $0xF;
	_ =	sdelay $0x1  }
0xa7: {  	(erf) = vpow2.f32 v15  }
0xa8: {  	_ =	sdelay $0x7  }
0xa9: {  	v15 =	vpop (erf)  }
0xaa: {  	v7 =	vmul.f32 v15, v7  }
0xab: {  	v10 =	vmul.f32 v15, v10;
	[tilespmem:s16+$0x7980] =	vst v15  }
0xac: {  	v63 =	vmul.f32 v15, v14;
	[tilespmem:s16+$0x180] =	vst v7  }
0xad: {  	v8 =	vmul.f32 v15, v8;
	[tilespmem:s16+$0x190] =	vst v10  }
0xae: {  	v9 =	vmul.f32 v15, v9;
	[tilespmem:s16+$0x1F0] =	vst v63  }
0xaf: {  	v7 =	vmul.f32 v15, v11;
	[tilespmem:s16+$0x1B0] =	vst v8  }
0xb0: {  	v8 =	vmul.f32 v15, v12;
	[tilespmem:s16+$0x1A0] =	vst v9  }
0xb1: {  	[tilespmem:s16+$0x1C0] =	vst v7;
	v7 =	vmul.f32 v15, v13  }
0xb2: {  	[tilespmem:s16+$0x1D0] =	vst v8  }
0xb3: {  	[tilespmem:s16+$0x1E0] =	vst v7  }
0xb4: {  	v7 =	vld [tilespmem:$0x80];
	_ =	sdelay $0x4  }
0xb5: {  	v8 =	vand.u32 $0x7F, v7  }
0xb6: {  	v9 =	vld.idx.msk [tilespmem:v1+s29+$0x0], $0xffff;
	v8 =	vor.u32 v1, v8;
	_ =	sdelay $0x4  }
0xb7: {  	[tilespmem:v8+s30+$0x0] =	vst.idx.msk $0xffff, v9  }
0xb8: {  	v8 =	vld [tilespmem:$0x90];
	_ =	sdelay $0x2  }
0xb9: {  	v7 =	vshrl.u32 v7, $0x7  }
0xba: {  	v7 =	vadd.s32 $0x2800, v7  }
0xbb: {  	[tilespmem:$0x100] =	vst v7;
	v7 =	vand.u32 $0x7F, v8  }
0xbc: {  	v9 =	vld.idx.msk [tilespmem:v3+s29+$0x0], $0xffff;
	v7 =	vor.u32 v3, v7;
	_ =	sdelay $0x4  }
0xbd: {  	[tilespmem:v7+s30+$0x0] =	vst.idx.msk $0xffff, v9  }
0xbe: {  	v7 =	vld [tilespmem:$0xA0];
	_ =	sdelay $0x2  }
0xbf: {  	v8 =	vshrl.u32 v8, $0x7  }
0xc0: {  	v8 =	vadd.s32 $0x2800, v8  }
0xc1: {  	[tilespmem:$0x110] =	vst v8;
	v8 =	vand.u32 $0x7F, v7  }
0xc2: {  	v9 =	vld.idx.msk [tilespmem:v4+s29+$0x0], $0xffff;
	v8 =	vor.u32 v4, v8;
	_ =	sdelay $0x4  }
0xc3: {  	[tilespmem:v8+s30+$0x0] =	vst.idx.msk $0xffff, v9  }
0xc4: {  	v8 =	vld [tilespmem:$0xB0];
	_ =	sdelay $0x2  }
0xc5: {  	v7 =	vshrl.u32 v7, $0x7  }
0xc6: {  	v7 =	vadd.s32 $0x2800, v7  }
0xc7: {  	[tilespmem:$0x120] =	vst v7;
	v7 =	vand.u32 $0x7F, v8  }
0xc8: {  	v9 =	vld.idx.msk [tilespmem:v5+s29+$0x0], $0xffff;
	v7 =	vor.u32 v5, v7;
	_ =	sdelay $0x4  }
0xc9: {  	[tilespmem:v7+s30+$0x0] =	vst.idx.msk $0xffff, v9  }
0xca: {  	v7 =	vld [tilespmem:$0xC0];
	_ =	sdelay $0x2  }
0xcb: {  	v8 =	vshrl.u32 v8, $0x7  }
0xcc: {  	v8 =	vadd.s32 $0x2800, v8  }
0xcd: {  	[tilespmem:$0x130] =	vst v8;
	v8 =	vand.u32 $0x7F, v7  }
0xce: {  	v9 =	vld.idx.msk [tilespmem:v6+s29+$0x0], $0xffff;
	v8 =	vor.u32 v6, v8;
	_ =	sdelay $0x3  }
0xcf: {  	v7 =	vshrl.u32 v7, $0x7  }
0xd0: {  	v7 =	vadd.s32 $0x2800, v7;
	[tilespmem:v8+s30+$0x0] =	vst.idx.msk $0xffff, v9  }
0xd1: {  	[tilespmem:$0x140] =	vst v7  }
0xd2: {  	[spmem:s3] =	stream.indirect.scatter.add.f32 [tilespmem:s21], [sflag:$0x4], $0x80, s19, s20, $0xb8;
	[tilespmem:$0x1EC80] =	vst v63  }
0xd3: {  	_ =	swait.ge [sflag:s17], $0x2800  }
0xd4: {  	[sflag:s17] =	ssyncset.done $0x0  }
0xd5: {  	[sflag:s17] =	ssyncadd.s32 $0xFFFFD800  }
0xd6: {  	[spmem:s3] =	stream.indirect.scatter.add.f32 [tilespmem:s30], [sflag:$0x4], $0x80, s24, s20, $0xb8;
	[tilespmem:$0x1EC80] =	vst v63  }
0xd7: {  	_ =	swait.ge [sflag:s17], $0x2800  }
0xd8: {  	[sflag:s17] =	ssyncset.done $0x0  }
0xd9: {  	[sflag:s17] =	ssyncadd.s32 $0xFFFFD800  }
0xda: {  	v7 =	vld [tilespmem:$0x80];
	_ =	sdelay $0x4  }
0xdb: {  	v7 =	vand.u32 $0x7F, v7  }
0xdc: {  	v7 =	vor.u32 v1, v7;
	_ =	sdelay $0x4  }
0xdd: {  	[tilespmem:v7+s30+$0x0] =	vst.idx.msk $0xffff, v2  }
0xde: {  	v7 =	vld [tilespmem:$0x90];
	_ =	sdelay $0x4  }
0xdf: {  	v7 =	vand.u32 $0x7F, v7  }
0xe0: {  	v7 =	vor.u32 v3, v7;
	_ =	sdelay $0x4  }
0xe1: {  	[tilespmem:v7+s30+$0x0] =	vst.idx.msk $0xffff, v2  }
0xe2: {  	v7 =	vld [tilespmem:$0xA0];
	_ =	sdelay $0x4  }
0xe3: {  	v7 =	vand.u32 $0x7F, v7  }
0xe4: {  	v7 =	vor.u32 v4, v7;
	_ =	sdelay $0x4  }
0xe5: {  	[tilespmem:v7+s30+$0x0] =	vst.idx.msk $0xffff, v2  }
0xe6: {  	v7 =	vld [tilespmem:$0xB0];
	_ =	sdelay $0x4  }
0xe7: {  	v7 =	vand.u32 $0x7F, v7  }
0xe8: {  	v7 =	vor.u32 v5, v7;
	_ =	sdelay $0x4  }
0xe9: {  	[tilespmem:v7+s30+$0x0] =	vst.idx.msk $0xffff, v2  }
0xea: {  	v7 =	vld [tilespmem:$0xC0];
	_ =	sdelay $0x4  }
0xeb: {  	s2 =	sadd.s32 $0x1, s2;
	v7 =	vand.u32 $0x7F, v7  }
0xec: {  	p1 =	sne.s32 s2, $0x7D;
	v7 =	vor.u32 v6, v7  }
.Ltmp4:
0xed: {  	_ = 	snop;
	(pc) =	sbr.rel @p1 .LBB2_8-.Ltmp4, $2  }
0xee: {  	_ =	sdelay $0x2  }
0xef: {  	[tilespmem:v7+s30+$0x0] =	vst.idx.msk $0xffff, v2  }
0xf0: {  	s0 =	stileid.u32  }
0xf1: {  	s0 =	sshll.u32 s0, $0x6  }
0xf2: {  	[bflag:$0x0] =	sbarrier.arrive $0xFFFF;
	s2 =	sshrl.u32 s10, $0x3;
	s0 =	sor.u32 $0x1C04, s0  }
0xf3: {  	[hbm:s13], [sflag:s0] =	dma.local [spmem:s2], $0x2800  }
0xf4: {  	_ =	swait.ge [sflag:s17], $0x2800  }
0xf5: {  	s31 =	sadd.s32 $0x1, s31;
	[sflag:s17] =	ssyncset.done $0x0  }
0xf6: {  	p1 =	sne.s32 s31, s15;
	[sflag:s17] =	ssyncadd.s32 $0xFFFFD800  }
0xf7: {  	[hbm:s14], [sflag:s0] =	dma.local @!p0 [spmem:s25], $0x80  }
.Ltmp5:
0xf8: {  	_ = 	snop;
	(pc) =	sbr.rel @p1 .LBB2_1-.Ltmp5, $4  }
0xf9: {  	s0 =	simm.s32 @!p0 $0x4  }
0xfa: {  	_ =	swait.ge @!p0 [sflag:s0], $0x80  }
0xfb: {  	[sflag:s0] =	ssyncset.done @!p0 $0x0  }
0xfc: {  	[sflag:s0] =	ssyncadd.s32 @!p0 $0xFFFFFF80  }
0xfd: {  	_ =	sfence.sel $0x180000  }
0xfe: {  	[bflag:$0x0] =	sbarrier.arrive $0xFFFF  }
0xff: {  	_ =	strace $0x90000047  }
0x100: {  	s0 =	stileid.u32;
	[bflag:$0x2] =	sbarrier.arrive $0xFFFF  }
0x101: {  	p0 =	sne.s32 s0, $0x0;
	s0 =	rddreg [dreg:$0x4]  }
0x102: {  	s0 =	sadd.s32 @!p0 $0x100000, s0  }
0x103: {  	[sflag:s0] =	ssyncadd.tile.s32 @!p0 $0x1;
	_ =	shalt  }
.Lfunc_end2:
_tile_overlayer_lowered:
.L_overlay_start_2:
0x104: {  	(tag) =	ssettag $0x2  }
0x105: {  	s0 =	rddreg [dreg:$0x0];
	s2 =	stileid.u32  }
0x106: {  	s1 =	rddreg [dreg:$0x1];
	p0 =	sne.s32 s2, $0x0  }
0x107: {  	s3 =	rddreg [dreg:$0x2];
	[bflag:$0x3] =	sbarrier.arrive $0xFFFF;
	s2 =	simm.s32 @!p0 $0x1C04  }
0x108: {  	[timem:s3], [sflag:s2] =	dma.local @!p0 [hbm:s0], s1  }
0x109: {  	s0 =	simm.s32 @!p0 $0x4  }
0x10a: {  	_ =	swait.ge @!p0 [sflag:s0], s1  }
0x10b: {  	s1 =	ssub.s32 @!p0 $0x0, s1;
	[sflag:s0] =	ssyncset.done @!p0 $0x0  }
0x10c: {  	[sflag:s0] =	ssyncadd.s32 @!p0 s1  }
0x10d: {  	[bflag:$0x3] =	sbarrier.arrive $0xFFFF  }
0x10e: {  	_ =	shalt  }

</sc_bundles>
